<compile_context>
chip_gen: v7x
topology: tpu7x:2x2x1
jax: 0.10.2.dev20260603
libtpu: 0.0.44.dev20260713+nightly
codegen_flags: <defaults>
</compile_context>

<pallas_src>
import jax
import jax.numpy as jnp
from jax import lax
from jax.experimental import pallas as pl
from jax.experimental.pallas import tpu as pltpu
from jax.experimental.pallas import tpu_sc as plsc

_SHIFT = 8192
_SOURCES, _BATCH, _CHANNELS, _LENGTH = 4, 8, 2, 441000
_NL = _LENGTH - _SHIFT
_OPAD = ((_NL + 127) // 128) * 128
_CH = 10752
_NFULL = _OPAD // _CH
_NPAIR = _NFULL // 2
_TAIL = _OPAD - _NFULL * _CH
_WIN = _CH + 128
_TWIN = _TAIL + 128
_UNROLL = 16


def _shift_chunk(bufin, work, bufout, rh16, rl, nelems):
    for c in range(_CHANNELS):
        @plsc.parallel_loop(0, nelems + 16, step=16, unroll=_UNROLL)
        def _(o):
            work[pl.ds(o, 16)] = bufin[c, pl.ds(rh16 + o, 16)]

        @plsc.parallel_loop(0, nelems, step=16, unroll=_UNROLL)
        def _(o):
            bufout[c, pl.ds(o, 16)] = work[pl.ds(rl + o, 16)]


def _body(wav_hbm, offs_hbm, out_hbm, offv, work, in0, in1, out0, out1,
          si0, si1, so0, so1):
    cid = lax.axis_index("c")
    sid = lax.axis_index("s")
    wid = sid * 2 + cid
    b = wid % _BATCH
    s = wid // _BATCH

    pltpu.sync_copy(offs_hbm, offv)
    off = offv[pl.ds(b, 16)][0]
    q128 = (off // 128) * 128
    r = off - q128
    rh16 = pl.multiple_of((r // 16) * 16, 16)
    rl = r - rh16
    dyn0 = off - off

    def start_in(j, buf, sem):
        src = pl.multiple_of(q128 + j * _CH, 128)
        pltpu.make_async_copy(
            wav_hbm.at[s, b, :, pl.ds(src, _WIN)],
            buf.at[:, pl.ds(0, _WIN)],
            sem,
        ).start()

    def wait_in(buf, sem):
        pltpu.make_async_copy(
            wav_hbm.at[s, b, :, pl.ds(q128, _WIN)],
            buf.at[:, pl.ds(0, _WIN)],
            sem,
        ).wait()

    def start_out(j, buf, sem):
        dst = pl.multiple_of(dyn0 + j * _CH, 128)
        pltpu.make_async_copy(
            buf, out_hbm.at[s, b, :, pl.ds(dst, _CH)], sem
        ).start()

    def wait_out(buf, sem):
        pltpu.make_async_copy(
            buf, out_hbm.at[s, b, :, pl.ds(dyn0, _CH)], sem
        ).wait()

    start_in(0, in0, si0)

    def pair(jj, _):
        j0 = jj * 2
        start_in(j0 + 1, in1, si1)
        wait_in(in0, si0)

        @pl.when(jj > 0)
        def _():
            wait_out(out0, so0)

        _shift_chunk(in0, work, out0, rh16, rl, _CH)
        start_out(j0, out0, so0)

        @pl.when(jj < _NPAIR - 1)
        def _():
            start_in(j0 + 2, in0, si0)

        wait_in(in1, si1)

        @pl.when(jj > 0)
        def _():
            wait_out(out1, so1)

        _shift_chunk(in1, work, out1, rh16, rl, _CH)
        start_out(j0 + 1, out1, so1)
        return 0

    lax.fori_loop(0, _NPAIR, pair, 0)

    if _TAIL > 0:
        tsrc = pl.multiple_of(q128 + _NFULL * _CH, 128)
        pltpu.make_async_copy(
            wav_hbm.at[s, b, :, pl.ds(tsrc, _TWIN)],
            in0.at[:, pl.ds(0, _TWIN)],
            si0,
        ).start()
        pltpu.make_async_copy(
            wav_hbm.at[s, b, :, pl.ds(tsrc, _TWIN)],
            in0.at[:, pl.ds(0, _TWIN)],
            si0,
        ).wait()
        wait_out(out0, so0)
        _shift_chunk(in0, work, out0, rh16, rl, _TAIL)
        tdst = pl.multiple_of(dyn0 + _NFULL * _CH, 128)
        pltpu.make_async_copy(
            out0.at[:, pl.ds(0, _TAIL)],
            out_hbm.at[s, b, :, pl.ds(tdst, _TAIL)],
            so0,
        ).start()
        pltpu.make_async_copy(
            out0.at[:, pl.ds(0, _TAIL)],
            out_hbm.at[s, b, :, pl.ds(tdst, _TAIL)],
            so0,
        ).wait()
        wait_out(out1, so1)
    else:
        wait_out(out0, so0)
        wait_out(out1, so1)


def kernel(wav, offsets):
    offs = jnp.zeros((32,), jnp.int32).at[:_BATCH].set(
        offsets.reshape(_BATCH).astype(jnp.int32)
    )
    mesh = plsc.VectorSubcoreMesh(core_axis_name="c", subcore_axis_name="s")
    return pl.kernel(
        _body,
        mesh=mesh,
        out_type=jax.ShapeDtypeStruct(
            (_SOURCES, _BATCH, _CHANNELS, _NL), jnp.float32
        ),
        scratch_types=[
            pltpu.VMEM((32,), jnp.int32),
            pltpu.VMEM((_CH + 32,), jnp.float32),
            pltpu.VMEM((_CHANNELS, _WIN), jnp.float32),
            pltpu.VMEM((_CHANNELS, _WIN), jnp.float32),
            pltpu.VMEM((_CHANNELS, _CH), jnp.float32),
            pltpu.VMEM((_CHANNELS, _CH), jnp.float32),
            pltpu.SemaphoreType.DMA,
            pltpu.SemaphoreType.DMA,
            pltpu.SemaphoreType.DMA,
            pltpu.SemaphoreType.DMA,
        ],
    )(wav, offs)

# --- scband reference (transcript-rebuilt; emitter-appended) ---
"""Pipeline reference for scband-shift-63608465653888 (READ-ONLY COPY).

The authoritative reference and input builder live on the scoring server;
editing this copy changes nothing except your own understanding.
"""

import jax, jax.numpy as jnp
import numpy as np

SHIFT = 8192
SOURCES, BATCH, CHANNELS, LENGTH = 4, 8, 2, 441000


def setup_inputs(seed: int = 0) -> dict:
    key = jax.random.key(seed)
    k1, k2 = jax.random.split(key)
    wav = jax.random.normal(k1, (SOURCES, BATCH, CHANNELS, LENGTH), dtype=jnp.float32)
    # Training-mode random offsets (same=True -> one offset per batch element,
    # shared across sources and channels). Materialized here so the reference
    # is deterministic; the torch module draws these inside forward().
    offsets = jax.random.randint(k2, (1, BATCH, 1, 1), 0, SHIFT, dtype=jnp.int32)
    return {"wav": wav, "offsets": offsets}


def reference(wav, offsets):
    sources, batch, channels, length = wav.shape
    new_length = length - SHIFT
    indexes = jnp.arange(new_length, dtype=jnp.int32)
    # (1, batch, 1, new_length) -> broadcast to full gather index, matching
    # torch's offsets.expand(sources, -1, channels, -1) + gather(dim=3)
    idx = indexes[None, None, None, :] + offsets
    idx = jnp.broadcast_to(idx, (sources, batch, channels, new_length))
    return jnp.take_along_axis(wav, idx, axis=3)

if __name__ == "__main__":
    import jax
    _d = setup_inputs()
    print(jax.jit(kernel)(*tuple(_d.values())))

</pallas_src>

<mosaic_0001>
#map = affine_map<(d0, d1) -> (0, 0, 0, 0)>
#map1 = affine_map<(d0, d1) -> (0)>
module attributes {stable_mosaic.version = 14 : i64} {
  func.func @_body(%arg0: i32, %arg1: i32, %arg2: memref<4x8x2x441000xf32, #tpu.memory_space<hbm>>, %arg3: memref<32xi32, #tpu.memory_space<hbm>>, %arg4: memref<4x8x2x432808xf32, #tpu.memory_space<hbm>>, %arg5: memref<32xi32, #tpu.memory_space<vmem>>, %arg6: memref<10784xf32, #tpu.memory_space<vmem>>, %arg7: memref<2x10880xf32, #tpu.memory_space<vmem>>, %arg8: memref<2x10880xf32, #tpu.memory_space<vmem>>, %arg9: memref<2x10752xf32, #tpu.memory_space<vmem>>, %arg10: memref<2x10752xf32, #tpu.memory_space<vmem>>, %arg11: memref<!tpu.dma_semaphore, #tpu.memory_space<semaphore_mem>>, %arg12: memref<!tpu.dma_semaphore, #tpu.memory_space<semaphore_mem>>, %arg13: memref<!tpu.dma_semaphore, #tpu.memory_space<semaphore_mem>>, %arg14: memref<!tpu.dma_semaphore, #tpu.memory_space<semaphore_mem>>) attributes {dimension_semantics = [#tpu.dimension_semantics<core_parallel>, #tpu.dimension_semantics<subcore_parallel>], iteration_bounds = array<i64: 2, 16>, scalar_prefetch = 0 : i64, scratch_operands = 10 : i64, tpu.core_type = #tpu.core_type<sc_vector_subcore>, window_params = [{transform_indices = #map}, {transform_indices = #map1}, {transform_indices = #map}]} {
    %mul3A = arith.constant 2 : i32
    %mul3A_0 = arith.muli %arg1, %mul3A : i32
    %add3A = arith.addi %mul3A_0, %arg0 : i32
    %jit3A = arith.constant 8 : i32
    %eq3A = arith.constant 0 : i32
    %eq3A_1 = arith.cmpi eq, %jit3A, %eq3A : i32
    %jit3A_2 = arith.constant 1 : i32
    %select_n3A = arith.select %eq3A_1, %jit3A_2, %jit3A : i32
    %rem3A = arith.remsi %add3A, %select_n3A : i32
    %ne3A = arith.constant 0 : i32
    %ne3A_3 = arith.cmpi ne, %rem3A, %ne3A : i32
    %lt3A = arith.constant 0 : i32
    %lt3A_4 = arith.cmpi slt, %rem3A, %lt3A : i32
    %lt3A_5 = arith.constant 0 : i32
    %lt3A_6 = arith.cmpi slt, %select_n3A, %lt3A_5 : i32
    %ne3A_7 = arith.xori %lt3A_4, %lt3A_6 : i1
    %and3A = arith.andi %ne3A_7, %ne3A_3 : i1
    %add3A_8 = arith.addi %rem3A, %select_n3A : i32
    %select_n3A_9 = arith.select %and3A, %add3A_8, %rem3A : i32
    %jit3A_10 = arith.constant 8 : i32
    %div3A = arith.divsi %add3A, %jit3A_10 : i32
    %sign3A = arith.constant 0 : i32
    %sign3A_11 = arith.cmpi sgt, %add3A, %sign3A : i32
    %sign3A_12 = arith.extui %sign3A_11 : i1 to i32
    %sign3A_13 = arith.constant 0 : i32
    %sign3A_14 = arith.cmpi slt, %add3A, %sign3A_13 : i32
    %sign3A_15 = arith.extui %sign3A_14 : i1 to i32
    %sign3A_16 = arith.subi %sign3A_12, %sign3A_15 : i32
    %sign3A_17 = arith.constant 0 : i32
    %sign3A_18 = arith.cmpi sgt, %jit3A_10, %sign3A_17 : i32
    %sign3A_19 = arith.extui %sign3A_18 : i1 to i32
    %sign3A_20 = arith.constant 0 : i32
    %sign3A_21 = arith.cmpi slt, %jit3A_10, %sign3A_20 : i32
    %sign3A_22 = arith.extui %sign3A_21 : i1 to i32
    %sign3A_23 = arith.subi %sign3A_19, %sign3A_22 : i32
    %ne3A_24 = arith.cmpi ne, %sign3A_16, %sign3A_23 : i32
    %rem3A_25 = arith.remsi %add3A, %jit3A_10 : i32
    %ne3A_26 = arith.constant 0 : i32
    %ne3A_27 = arith.cmpi ne, %rem3A_25, %ne3A_26 : i32
    %and3A_28 = arith.andi %ne3A_24, %ne3A_27 : i1
    %sub3A = arith.constant 1 : i32
    %sub3A_29 = arith.subi %div3A, %sub3A : i32
    %select_n3A_30 = arith.select %and3A_28, %sub3A_29, %div3A : i32
    "tpu.region"() ({
      %run_scoped3A = tpu.sem_alloc : memref<!tpu.dma_semaphore, #tpu.memory_space<semaphore_mem>>
      tpu.enqueue_dma source(%arg3 : memref<32xi32, #tpu.memory_space<hbm>>) target(%arg5 : memref<32xi32, #tpu.memory_space<vmem>>) target_semaphore(%run_scoped3A : memref<!tpu.dma_semaphore, #tpu.memory_space<semaphore_mem>>)
      tpu.wait_dma2 semaphore(%run_scoped3A : memref<!tpu.dma_semaphore, #tpu.memory_space<semaphore_mem>>) src(%arg3 : memref<32xi32, #tpu.memory_space<hbm>>) dst(%arg5 : memref<32xi32, #tpu.memory_space<vmem>>)
      tpu.yield
    }) : () -> ()
    %get3A = arith.index_cast %select_n3A_9 : i32 to index
    %get3A_31 = tpu.vector_load %arg5[%get3A] {strides = array<i32>} : memref<32xi32, #tpu.memory_space<vmem>>, vector<16xi32>,
    %get3A_32 = vector.shape_cast %get3A_31 : vector<16xi32> to vector<16xi32>
    %slice3A = vector.extract_strided_slice %get3A_32 {offsets = [0], sizes = [1], strides = [1]} : vector<16xi32> to vector<1xi32>
    %squeeze3A = vector.extract %slice3A[0] : i32 from vector<1xi32>
    %jit3A_33 = arith.constant 128 : i32
    %div3A_34 = arith.divsi %squeeze3A, %jit3A_33 : i32
    %sign3A_35 = arith.constant 0 : i32
    %sign3A_36 = arith.cmpi sgt, %squeeze3A, %sign3A_35 : i32
    %sign3A_37 = arith.extui %sign3A_36 : i1 to i32
    %sign3A_38 = arith.constant 0 : i32
    %sign3A_39 = arith.cmpi slt, %squeeze3A, %sign3A_38 : i32
    %sign3A_40 = arith.extui %sign3A_39 : i1 to i32
    %sign3A_41 = arith.subi %sign3A_37, %sign3A_40 : i32
    %sign3A_42 = arith.constant 0 : i32
    %sign3A_43 = arith.cmpi sgt, %jit3A_33, %sign3A_42 : i32
    %sign3A_44 = arith.extui %sign3A_43 : i1 to i32
    %sign3A_45 = arith.constant 0 : i32
    %sign3A_46 = arith.cmpi slt, %jit3A_33, %sign3A_45 : i32
    %sign3A_47 = arith.extui %sign3A_46 : i1 to i32
    %sign3A_48 = arith.subi %sign3A_44, %sign3A_47 : i32
    %ne3A_49 = arith.cmpi ne, %sign3A_41, %sign3A_48 : i32
    %rem3A_50 = arith.remsi %squeeze3A, %jit3A_33 : i32
    %ne3A_51 = arith.constant 0 : i32
    %ne3A_52 = arith.cmpi ne, %rem3A_50, %ne3A_51 : i32
    %and3A_53 = arith.andi %ne3A_49, %ne3A_52 : i1
    %sub3A_54 = arith.constant 1 : i32
    %sub3A_55 = arith.subi %div3A_34, %sub3A_54 : i32
    %select_n3A_56 = arith.select %and3A_53, %sub3A_55, %div3A_34 : i32
    %mul3A_57 = arith.constant 128 : i32
    %mul3A_58 = arith.muli %select_n3A_56, %mul3A_57 : i32
    %sub3A_59 = arith.subi %squeeze3A, %mul3A_58 : i32
    %jit3A_60 = arith.constant 16 : i32
    %div3A_61 = arith.divsi %sub3A_59, %jit3A_60 : i32
    %sign3A_62 = arith.constant 0 : i32
    %sign3A_63 = arith.cmpi sgt, %sub3A_59, %sign3A_62 : i32
    %sign3A_64 = arith.extui %sign3A_63 : i1 to i32
    %sign3A_65 = arith.constant 0 : i32
    %sign3A_66 = arith.cmpi slt, %sub3A_59, %sign3A_65 : i32
    %sign3A_67 = arith.extui %sign3A_66 : i1 to i32
    %sign3A_68 = arith.subi %sign3A_64, %sign3A_67 : i32
    %sign3A_69 = arith.constant 0 : i32
    %sign3A_70 = arith.cmpi sgt, %jit3A_60, %sign3A_69 : i32
    %sign3A_71 = arith.extui %sign3A_70 : i1 to i32
    %sign3A_72 = arith.constant 0 : i32
    %sign3A_73 = arith.cmpi slt, %jit3A_60, %sign3A_72 : i32
    %sign3A_74 = arith.extui %sign3A_73 : i1 to i32
    %sign3A_75 = arith.subi %sign3A_71, %sign3A_74 : i32
    %ne3A_76 = arith.cmpi ne, %sign3A_68, %sign3A_75 : i32
    %rem3A_77 = arith.remsi %sub3A_59, %jit3A_60 : i32
    %ne3A_78 = arith.constant 0 : i32
    %ne3A_79 = arith.cmpi ne, %rem3A_77, %ne3A_78 : i32
    %and3A_80 = arith.andi %ne3A_76, %ne3A_79 : i1
    %sub3A_81 = arith.constant 1 : i32
    %sub3A_82 = arith.subi %div3A_61, %sub3A_81 : i32
    %select_n3A_83 = arith.select %and3A_80, %sub3A_82, %div3A_61 : i32
    %mul3A_84 = arith.constant 16 : i32
    %mul3A_85 = arith.muli %select_n3A_83, %mul3A_84 : i32
    %multiple_of3A = tpu.assume_multiple %mul3A_85, 16 : i32
    %sub3A_86 = arith.subi %sub3A_59, %multiple_of3A : i32
    %sub3A_87 = arith.subi %squeeze3A, %squeeze3A : i32
    %add3A_88 = arith.constant 0 : i32
    %add3A_89 = arith.addi %mul3A_58, %add3A_88 : i32
    %multiple_of3A_90 = tpu.assume_multiple %add3A_89, 128 : i32
    %dma_start3A = arith.constant 0 : i32
    %dma_start3A_91 = arith.constant 0 : i32
    %dma_start3A_92 = tpu.memref_slice %arg7[%dma_start3A, %dma_start3A_91] : memref<2x10880xf32, #tpu.memory_space<vmem>> -> memref<2x10880xf32, #tpu.memory_space<vmem>>
    %dma_start3A_93 = arith.constant 0 : i32
    %dma_start3A_94 = tpu.memref_slice %arg2[%select_n3A_30, %select_n3A_9, %dma_start3A_93, %multiple_of3A_90] : memref<4x8x2x441000xf32, #tpu.memory_space<hbm>> -> memref<1x1x2x10880xf32, #tpu.memory_space<hbm>>
    %dma_start3A_95 = tpu.memref_squeeze %dma_start3A_94 : memref<1x1x2x10880xf32, #tpu.memory_space<hbm>> -> memref<2x10880xf32, #tpu.memory_space<hbm>>
    %dma_start3A_96 = arith.constant 0 : i32
    %dma_start3A_97 = arith.constant 0 : i32
    %dma_start3A_98 = tpu.memref_slice %arg7[%dma_start3A_96, %dma_start3A_97] : memref<2x10880xf32, #tpu.memory_space<vmem>> -> memref<2x10880xf32, #tpu.memory_space<vmem>>
    %dma_start3A_99 = arith.constant 0 : i32
    %dma_start3A_100 = tpu.memref_slice %arg2[%select_n3A_30, %select_n3A_9, %dma_start3A_99, %multiple_of3A_90] : memref<4x8x2x441000xf32, #tpu.memory_space<hbm>> -> memref<1x1x2x10880xf32, #tpu.memory_space<hbm>>
    %dma_start3A_101 = tpu.memref_squeeze %dma_start3A_100 : memref<1x1x2x10880xf32, #tpu.memory_space<hbm>> -> memref<2x10880xf32, #tpu.memory_space<hbm>>
    tpu.enqueue_dma source(%dma_start3A_101 : memref<2x10880xf32, #tpu.memory_space<hbm>>) target(%dma_start3A_98 : memref<2x10880xf32, #tpu.memory_space<vmem>>) target_semaphore(%arg11 : memref<!tpu.dma_semaphore, #tpu.memory_space<semaphore_mem>>)
    %scan3A = arith.constant 0 : i32
    %scan3A_102 = arith.constant 0 : i32
    %scan3A_103 = arith.constant 20 : i32
    %scan3A_104 = arith.addi %scan3A_102, %scan3A_103 : i32
    %scan3A_105 = arith.constant 1 : i32
    %scan3A_106 = scf.for %scan3A_184 = %scan3A_102 to %scan3A_104 step %scan3A_105 iter_args(%scan3A_185 = %scan3A) -> (i32)  : i32 {
      %mul3A_186 = arith.constant 2 : i32
      %mul3A_187 = arith.muli %scan3A_184, %mul3A_186 : i32
      %add3A_188 = arith.constant 1 : i32
      %add3A_189 = arith.addi %mul3A_187, %add3A_188 : i32
      %mul3A_190 = arith.constant 10752 : i32
      %mul3A_191 = arith.muli %add3A_189, %mul3A_190 : i32
      %add3A_192 = arith.addi %mul3A_58, %mul3A_191 : i32
      %multiple_of3A_193 = tpu.assume_multiple %add3A_192, 128 : i32
      %dma_start3A_194 = arith.constant 0 : i32
      %dma_start3A_195 = arith.constant 0 : i32
      %dma_start3A_196 = tpu.memref_slice %arg8[%dma_start3A_194, %dma_start3A_195] : memref<2x10880xf32, #tpu.memory_space<vmem>> -> memref<2x10880xf32, #tpu.memory_space<vmem>>
      %dma_start3A_197 = arith.constant 0 : i32
      %dma_start3A_198 = tpu.memref_slice %arg2[%select_n3A_30, %select_n3A_9, %dma_start3A_197, %multiple_of3A_193] : memref<4x8x2x441000xf32, #tpu.memory_space<hbm>> -> memref<1x1x2x10880xf32, #tpu.memory_space<hbm>>
      %dma_start3A_199 = tpu.memref_squeeze %dma_start3A_198 : memref<1x1x2x10880xf32, #tpu.memory_space<hbm>> -> memref<2x10880xf32, #tpu.memory_space<hbm>>
      %dma_start3A_200 = arith.constant 0 : i32
      %dma_start3A_201 = arith.constant 0 : i32
      %dma_start3A_202 = tpu.memref_slice %arg8[%dma_start3A_200, %dma_start3A_201] : memref<2x10880xf32, #tpu.memory_space<vmem>> -> memref<2x10880xf32, #tpu.memory_space<vmem>>
      %dma_start3A_203 = arith.constant 0 : i32
      %dma_start3A_204 = tpu.memref_slice %arg2[%select_n3A_30, %select_n3A_9, %dma_start3A_203, %multiple_of3A_193] : memref<4x8x2x441000xf32, #tpu.memory_space<hbm>> -> memref<1x1x2x10880xf32, #tpu.memory_space<hbm>>
      %dma_start3A_205 = tpu.memref_squeeze %dma_start3A_204 : memref<1x1x2x10880xf32, #tpu.memory_space<hbm>> -> memref<2x10880xf32, #tpu.memory_space<hbm>>
      tpu.enqueue_dma source(%dma_start3A_205 : memref<2x10880xf32, #tpu.memory_space<hbm>>) target(%dma_start3A_202 : memref<2x10880xf32, #tpu.memory_space<vmem>>) target_semaphore(%arg12 : memref<!tpu.dma_semaphore, #tpu.memory_space<semaphore_mem>>)
      %dma_wait3A_206 = arith.constant 0 : i32
      %dma_wait3A_207 = arith.constant 0 : i32
      %dma_wait3A_208 = tpu.memref_slice %arg7[%dma_wait3A_206, %dma_wait3A_207] : memref<2x10880xf32, #tpu.memory_space<vmem>> -> memref<2x10880xf32, #tpu.memory_space<vmem>>
      %dma_wait3A_209 = arith.constant 0 : i32
      %dma_wait3A_210 = tpu.memref_slice %arg2[%select_n3A_30, %select_n3A_9, %dma_wait3A_209, %mul3A_58] : memref<4x8x2x441000xf32, #tpu.memory_space<hbm>> -> memref<1x1x2x10880xf32, #tpu.memory_space<hbm>>
      %dma_wait3A_211 = tpu.memref_squeeze %dma_wait3A_210 : memref<1x1x2x10880xf32, #tpu.memory_space<hbm>> -> memref<2x10880xf32, #tpu.memory_space<hbm>>
      %dma_wait3A_212 = arith.constant 0 : i32
      %dma_wait3A_213 = arith.constant 0 : i32
      %dma_wait3A_214 = tpu.memref_slice %arg7[%dma_wait3A_212, %dma_wait3A_213] : memref<2x10880xf32, #tpu.memory_space<vmem>> -> memref<2x10880xf32, #tpu.memory_space<vmem>>
      %dma_wait3A_215 = arith.constant 0 : i32
      %dma_wait3A_216 = tpu.memref_slice %arg2[%select_n3A_30, %select_n3A_9, %dma_wait3A_215, %mul3A_58] : memref<4x8x2x441000xf32, #tpu.memory_space<hbm>> -> memref<1x1x2x10880xf32, #tpu.memory_space<hbm>>
      %dma_wait3A_217 = tpu.memref_squeeze %dma_wait3A_216 : memref<1x1x2x10880xf32, #tpu.memory_space<hbm>> -> memref<2x10880xf32, #tpu.memory_space<hbm>>
      tpu.wait_dma2 semaphore(%arg11 : memref<!tpu.dma_semaphore, #tpu.memory_space<semaphore_mem>>) src(%dma_wait3A_217 : memref<2x10880xf32, #tpu.memory_space<hbm>>) dst(%dma_wait3A_214 : memref<2x10880xf32, #tpu.memory_space<vmem>>)
      %gt3A = arith.constant 0 : i32
      %gt3A_218 = arith.cmpi sgt, %scan3A_184, %gt3A : i32
      %convert_element_type3A = arith.extui %gt3A_218 : i1 to i32
      %cond3A = arith.constant 0 : i32
      %cond3A_219 = arith.cmpi ne, %convert_element_type3A, %cond3A : i32
      scf.if %cond3A_219 {
        %dma_wait3A_289 = arith.constant 0 : i32
        %dma_wait3A_290 = tpu.memref_slice %arg4[%select_n3A_30, %select_n3A_9, %dma_wait3A_289, %sub3A_87] : memref<4x8x2x432808xf32, #tpu.memory_space<hbm>> -> memref<1x1x2x10752xf32, #tpu.memory_space<hbm>>
        %dma_wait3A_291 = tpu.memref_squeeze %dma_wait3A_290 : memref<1x1x2x10752xf32, #tpu.memory_space<hbm>> -> memref<2x10752xf32, #tpu.memory_space<hbm>>
        %dma_wait3A_292 = arith.constant 0 : i32
        %dma_wait3A_293 = tpu.memref_slice %arg4[%select_n3A_30, %select_n3A_9, %dma_wait3A_292, %sub3A_87] : memref<4x8x2x432808xf32, #tpu.memory_space<hbm>> -> memref<1x1x2x10752xf32, #tpu.memory_space<hbm>>
        %dma_wait3A_294 = tpu.memref_squeeze %dma_wait3A_293 : memref<1x1x2x10752xf32, #tpu.memory_space<hbm>> -> memref<2x10752xf32, #tpu.memory_space<hbm>>
        tpu.wait_dma2 semaphore(%arg13 : memref<!tpu.dma_semaphore, #tpu.memory_space<semaphore_mem>>) src(%arg9 : memref<2x10752xf32, #tpu.memory_space<vmem>>) dst(%dma_wait3A_294 : memref<2x10752xf32, #tpu.memory_space<hbm>>)
      } else {
      }
      %parallel_loop3A_220 = arith.constant 0 : i32
      %parallel_loop3A_221 = arith.constant 10768 : i32
      %parallel_loop3A_222 = arith.constant 16 : i32
      scf.for %parallel_loop3A_289 = %parallel_loop3A_220 to %parallel_loop3A_221 step %parallel_loop3A_222  : i32 {
        %parallel_loop3A_290 = arith.addi %multiple_of3A, %parallel_loop3A_289 : i32
        %parallel_loop3A_291 = arith.constant 0 : i32
        %parallel_loop3A_292 = arith.index_cast %parallel_loop3A_291 : i32 to index
        %parallel_loop3A_293 = arith.index_cast %parallel_loop3A_290 : i32 to index
        %parallel_loop3A_294 = tpu.vector_load %arg7[%parallel_loop3A_292, %parallel_loop3A_293] {strides = array<i32>} : memref<2x10880xf32, #tpu.memory_space<vmem>>, vector<1x16xf32>,
        %parallel_loop3A_295 = vector.shape_cast %parallel_loop3A_294 : vector<1x16xf32> to vector<16xf32>
        %parallel_loop3A_296 = arith.index_cast %parallel_loop3A_289 : i32 to index
        %parallel_loop3A_297 = tpu.vector_load %arg6[%parallel_loop3A_296] {strides = array<i32>} : memref<10784xf32, #tpu.memory_space<vmem>>, vector<16xf32>,
        %parallel_loop3A_298 = vector.shape_cast %parallel_loop3A_297 : vector<16xf32> to vector<16xf32>
        %parallel_loop3A_299 = vector.shape_cast %parallel_loop3A_295 : vector<16xf32> to vector<16xf32>
        tpu.vector_store %arg6[%parallel_loop3A_296], %parallel_loop3A_299 {strides = array<i32>} : memref<10784xf32, #tpu.memory_space<vmem>>, vector<16xf32>,
      } {sc.loop_unroll_factor = 16 : i64, sc.parallel_access}
      %parallel_loop3A_223 = arith.constant 0 : i32
      %parallel_loop3A_224 = arith.constant 10752 : i32
      %parallel_loop3A_225 = arith.constant 16 : i32
      scf.for %parallel_loop3A_289 = %parallel_loop3A_223 to %parallel_loop3A_224 step %parallel_loop3A_225  : i32 {
        %parallel_loop3A_290 = arith.addi %sub3A_86, %parallel_loop3A_289 : i32
        %parallel_loop3A_291 = arith.index_cast %parallel_loop3A_290 : i32 to index
        %parallel_loop3A_292 = tpu.vector_load %arg6[%parallel_loop3A_291] {strides = array<i32>} : memref<10784xf32, #tpu.memory_space<vmem>>, vector<16xf32>,
        %parallel_loop3A_293 = vector.shape_cast %parallel_loop3A_292 : vector<16xf32> to vector<16xf32>
        %parallel_loop3A_294 = arith.constant 0 : i32
        %parallel_loop3A_295 = arith.index_cast %parallel_loop3A_294 : i32 to index
        %parallel_loop3A_296 = arith.index_cast %parallel_loop3A_289 : i32 to index
        %parallel_loop3A_297 = tpu.vector_load %arg9[%parallel_loop3A_295, %parallel_loop3A_296] {strides = array<i32>} : memref<2x10752xf32, #tpu.memory_space<vmem>>, vector<1x16xf32>,
        %parallel_loop3A_298 = vector.shape_cast %parallel_loop3A_297 : vector<1x16xf32> to vector<16xf32>
        %parallel_loop3A_299 = vector.shape_cast %parallel_loop3A_293 : vector<16xf32> to vector<1x16xf32>
        tpu.vector_store %arg9[%parallel_loop3A_295, %parallel_loop3A_296], %parallel_loop3A_299 {strides = array<i32>} : memref<2x10752xf32, #tpu.memory_space<vmem>>, vector<1x16xf32>,
      } {sc.loop_unroll_factor = 16 : i64, sc.parallel_access}
      %parallel_loop3A_226 = arith.constant 0 : i32
      %parallel_loop3A_227 = arith.constant 10768 : i32
      %parallel_loop3A_228 = arith.constant 16 : i32
      scf.for %parallel_loop3A_289 = %parallel_loop3A_226 to %parallel_loop3A_227 step %parallel_loop3A_228  : i32 {
        %parallel_loop3A_290 = arith.addi %multiple_of3A, %parallel_loop3A_289 : i32
        %parallel_loop3A_291 = arith.constant 1 : i32
        %parallel_loop3A_292 = arith.index_cast %parallel_loop3A_291 : i32 to index
        %parallel_loop3A_293 = arith.index_cast %parallel_loop3A_290 : i32 to index
        %parallel_loop3A_294 = tpu.vector_load %arg7[%parallel_loop3A_292, %parallel_loop3A_293] {strides = array<i32>} : memref<2x10880xf32, #tpu.memory_space<vmem>>, vector<1x16xf32>,
        %parallel_loop3A_295 = vector.shape_cast %parallel_loop3A_294 : vector<1x16xf32> to vector<16xf32>
        %parallel_loop3A_296 = arith.index_cast %parallel_loop3A_289 : i32 to index
        %parallel_loop3A_297 = tpu.vector_load %arg6[%parallel_loop3A_296] {strides = array<i32>} : memref<10784xf32, #tpu.memory_space<vmem>>, vector<16xf32>,
        %parallel_loop3A_298 = vector.shape_cast %parallel_loop3A_297 : vector<16xf32> to vector<16xf32>
        %parallel_loop3A_299 = vector.shape_cast %parallel_loop3A_295 : vector<16xf32> to vector<16xf32>
        tpu.vector_store %arg6[%parallel_loop3A_296], %parallel_loop3A_299 {strides = array<i32>} : memref<10784xf32, #tpu.memory_space<vmem>>, vector<16xf32>,
      } {sc.loop_unroll_factor = 16 : i64, sc.parallel_access}
      %parallel_loop3A_229 = arith.constant 0 : i32
      %parallel_loop3A_230 = arith.constant 10752 : i32
      %parallel_loop3A_231 = arith.constant 16 : i32
      scf.for %parallel_loop3A_289 = %parallel_loop3A_229 to %parallel_loop3A_230 step %parallel_loop3A_231  : i32 {
        %parallel_loop3A_290 = arith.addi %sub3A_86, %parallel_loop3A_289 : i32
        %parallel_loop3A_291 = arith.index_cast %parallel_loop3A_290 : i32 to index
        %parallel_loop3A_292 = tpu.vector_load %arg6[%parallel_loop3A_291] {strides = array<i32>} : memref<10784xf32, #tpu.memory_space<vmem>>, vector<16xf32>,
        %parallel_loop3A_293 = vector.shape_cast %parallel_loop3A_292 : vector<16xf32> to vector<16xf32>
        %parallel_loop3A_294 = arith.constant 1 : i32
        %parallel_loop3A_295 = arith.index_cast %parallel_loop3A_294 : i32 to index
        %parallel_loop3A_296 = arith.index_cast %parallel_loop3A_289 : i32 to index
        %parallel_loop3A_297 = tpu.vector_load %arg9[%parallel_loop3A_295, %parallel_loop3A_296] {strides = array<i32>} : memref<2x10752xf32, #tpu.memory_space<vmem>>, vector<1x16xf32>,
        %parallel_loop3A_298 = vector.shape_cast %parallel_loop3A_297 : vector<1x16xf32> to vector<16xf32>
        %parallel_loop3A_299 = vector.shape_cast %parallel_loop3A_293 : vector<16xf32> to vector<1x16xf32>
        tpu.vector_store %arg9[%parallel_loop3A_295, %parallel_loop3A_296], %parallel_loop3A_299 {strides = array<i32>} : memref<2x10752xf32, #tpu.memory_space<vmem>>, vector<1x16xf32>,
      } {sc.loop_unroll_factor = 16 : i64, sc.parallel_access}
      %mul3A_232 = arith.constant 10752 : i32
      %mul3A_233 = arith.muli %mul3A_187, %mul3A_232 : i32
      %add3A_234 = arith.addi %sub3A_87, %mul3A_233 : i32
      %multiple_of3A_235 = tpu.assume_multiple %add3A_234, 128 : i32
      %dma_start3A_236 = arith.constant 0 : i32
      %dma_start3A_237 = tpu.memref_slice %arg4[%select_n3A_30, %select_n3A_9, %dma_start3A_236, %multiple_of3A_235] : memref<4x8x2x432808xf32, #tpu.memory_space<hbm>> -> memref<1x1x2x10752xf32, #tpu.memory_space<hbm>>
      %dma_start3A_238 = tpu.memref_squeeze %dma_start3A_237 : memref<1x1x2x10752xf32, #tpu.memory_space<hbm>> -> memref<2x10752xf32, #tpu.memory_space<hbm>>
      %dma_start3A_239 = arith.constant 0 : i32
      %dma_start3A_240 = tpu.memref_slice %arg4[%select_n3A_30, %select_n3A_9, %dma_start3A_239, %multiple_of3A_235] : memref<4x8x2x432808xf32, #tpu.memory_space<hbm>> -> memref<1x1x2x10752xf32, #tpu.memory_space<hbm>>
      %dma_start3A_241 = tpu.memref_squeeze %dma_start3A_240 : memref<1x1x2x10752xf32, #tpu.memory_space<hbm>> -> memref<2x10752xf32, #tpu.memory_space<hbm>>
      tpu.enqueue_dma source(%arg9 : memref<2x10752xf32, #tpu.memory_space<vmem>>) target(%dma_start3A_241 : memref<2x10752xf32, #tpu.memory_space<hbm>>) target_semaphore(%arg13 : memref<!tpu.dma_semaphore, #tpu.memory_space<semaphore_mem>>)
      %lt3A_242 = arith.constant 19 : i32
      %lt3A_243 = arith.cmpi slt, %scan3A_184, %lt3A_242 : i32
      %convert_element_type3A_244 = arith.extui %lt3A_243 : i1 to i32
      %cond3A_245 = arith.constant 0 : i32
      %cond3A_246 = arith.cmpi ne, %convert_element_type3A_244, %cond3A_245 : i32
      scf.if %cond3A_246 {
        %add3A_289 = arith.constant 2 : i32
        %add3A_290 = arith.addi %mul3A_187, %add3A_289 : i32
        %mul3A_291 = arith.constant 10752 : i32
        %mul3A_292 = arith.muli %add3A_290, %mul3A_291 : i32
        %add3A_293 = arith.addi %mul3A_58, %mul3A_292 : i32
        %multiple_of3A_294 = tpu.assume_multiple %add3A_293, 128 : i32
        %dma_start3A_295 = arith.constant 0 : i32
        %dma_start3A_296 = arith.constant 0 : i32
        %dma_start3A_297 = tpu.memref_slice %arg7[%dma_start3A_295, %dma_start3A_296] : memref<2x10880xf32, #tpu.memory_space<vmem>> -> memref<2x10880xf32, #tpu.memory_space<vmem>>
        %dma_start3A_298 = arith.constant 0 : i32
        %dma_start3A_299 = tpu.memref_slice %arg2[%select_n3A_30, %select_n3A_9, %dma_start3A_298, %multiple_of3A_294] : memref<4x8x2x441000xf32, #tpu.memory_space<hbm>> -> memref<1x1x2x10880xf32, #tpu.memory_space<hbm>>
        %dma_start3A_300 = tpu.memref_squeeze %dma_start3A_299 : memref<1x1x2x10880xf32, #tpu.memory_space<hbm>> -> memref<2x10880xf32, #tpu.memory_space<hbm>>
        %dma_start3A_301 = arith.constant 0 : i32
        %dma_start3A_302 = arith.constant 0 : i32
        %dma_start3A_303 = tpu.memref_slice %arg7[%dma_start3A_301, %dma_start3A_302] : memref<2x10880xf32, #tpu.memory_space<vmem>> -> memref<2x10880xf32, #tpu.memory_space<vmem>>
        %dma_start3A_304 = arith.constant 0 : i32
        %dma_start3A_305 = tpu.memref_slice %arg2[%select_n3A_30, %select_n3A_9, %dma_start3A_304, %multiple_of3A_294] : memref<4x8x2x441000xf32, #tpu.memory_space<hbm>> -> memref<1x1x2x10880xf32, #tpu.memory_space<hbm>>
        %dma_start3A_306 = tpu.memref_squeeze %dma_start3A_305 : memref<1x1x2x10880xf32, #tpu.memory_space<hbm>> -> memref<2x10880xf32, #tpu.memory_space<hbm>>
        tpu.enqueue_dma source(%dma_start3A_306 : memref<2x10880xf32, #tpu.memory_space<hbm>>) target(%dma_start3A_303 : memref<2x10880xf32, #tpu.memory_space<vmem>>) target_semaphore(%arg11 : memref<!tpu.dma_semaphore, #tpu.memory_space<semaphore_mem>>)
      } else {
      }
      %dma_wait3A_247 = arith.constant 0 : i32
      %dma_wait3A_248 = arith.constant 0 : i32
      %dma_wait3A_249 = tpu.memref_slice %arg8[%dma_wait3A_247, %dma_wait3A_248] : memref<2x10880xf32, #tpu.memory_space<vmem>> -> memref<2x10880xf32, #tpu.memory_space<vmem>>
      %dma_wait3A_250 = arith.constant 0 : i32
      %dma_wait3A_251 = tpu.memref_slice %arg2[%select_n3A_30, %select_n3A_9, %dma_wait3A_250, %mul3A_58] : memref<4x8x2x441000xf32, #tpu.memory_space<hbm>> -> memref<1x1x2x10880xf32, #tpu.memory_space<hbm>>
      %dma_wait3A_252 = tpu.memref_squeeze %dma_wait3A_251 : memref<1x1x2x10880xf32, #tpu.memory_space<hbm>> -> memref<2x10880xf32, #tpu.memory_space<hbm>>
      %dma_wait3A_253 = arith.constant 0 : i32
      %dma_wait3A_254 = arith.constant 0 : i32
      %dma_wait3A_255 = tpu.memref_slice %arg8[%dma_wait3A_253, %dma_wait3A_254] : memref<2x10880xf32, #tpu.memory_space<vmem>> -> memref<2x10880xf32, #tpu.memory_space<vmem>>
      %dma_wait3A_256 = arith.constant 0 : i32
      %dma_wait3A_257 = tpu.memref_slice %arg2[%select_n3A_30, %select_n3A_9, %dma_wait3A_256, %mul3A_58] : memref<4x8x2x441000xf32, #tpu.memory_space<hbm>> -> memref<1x1x2x10880xf32, #tpu.memory_space<hbm>>
      %dma_wait3A_258 = tpu.memref_squeeze %dma_wait3A_257 : memref<1x1x2x10880xf32, #tpu.memory_space<hbm>> -> memref<2x10880xf32, #tpu.memory_space<hbm>>
      tpu.wait_dma2 semaphore(%arg12 : memref<!tpu.dma_semaphore, #tpu.memory_space<semaphore_mem>>) src(%dma_wait3A_258 : memref<2x10880xf32, #tpu.memory_space<hbm>>) dst(%dma_wait3A_255 : memref<2x10880xf32, #tpu.memory_space<vmem>>)
      %gt3A_259 = arith.constant 0 : i32
      %gt3A_260 = arith.cmpi sgt, %scan3A_184, %gt3A_259 : i32
      %convert_element_type3A_261 = arith.extui %gt3A_260 : i1 to i32
      %cond3A_262 = arith.constant 0 : i32
      %cond3A_263 = arith.cmpi ne, %convert_element_type3A_261, %cond3A_262 : i32
      scf.if %cond3A_263 {
        %dma_wait3A_289 = arith.constant 0 : i32
        %dma_wait3A_290 = tpu.memref_slice %arg4[%select_n3A_30, %select_n3A_9, %dma_wait3A_289, %sub3A_87] : memref<4x8x2x432808xf32, #tpu.memory_space<hbm>> -> memref<1x1x2x10752xf32, #tpu.memory_space<hbm>>
        %dma_wait3A_291 = tpu.memref_squeeze %dma_wait3A_290 : memref<1x1x2x10752xf32, #tpu.memory_space<hbm>> -> memref<2x10752xf32, #tpu.memory_space<hbm>>
        %dma_wait3A_292 = arith.constant 0 : i32
        %dma_wait3A_293 = tpu.memref_slice %arg4[%select_n3A_30, %select_n3A_9, %dma_wait3A_292, %sub3A_87] : memref<4x8x2x432808xf32, #tpu.memory_space<hbm>> -> memref<1x1x2x10752xf32, #tpu.memory_space<hbm>>
        %dma_wait3A_294 = tpu.memref_squeeze %dma_wait3A_293 : memref<1x1x2x10752xf32, #tpu.memory_space<hbm>> -> memref<2x10752xf32, #tpu.memory_space<hbm>>
        tpu.wait_dma2 semaphore(%arg14 : memref<!tpu.dma_semaphore, #tpu.memory_space<semaphore_mem>>) src(%arg10 : memref<2x10752xf32, #tpu.memory_space<vmem>>) dst(%dma_wait3A_294 : memref<2x10752xf32, #tpu.memory_space<hbm>>)
      } else {
      }
      %parallel_loop3A_264 = arith.constant 0 : i32
      %parallel_loop3A_265 = arith.constant 10768 : i32
      %parallel_loop3A_266 = arith.constant 16 : i32
      scf.for %parallel_loop3A_289 = %parallel_loop3A_264 to %parallel_loop3A_265 step %parallel_loop3A_266  : i32 {
        %parallel_loop3A_290 = arith.addi %multiple_of3A, %parallel_loop3A_289 : i32
        %parallel_loop3A_291 = arith.constant 0 : i32
        %parallel_loop3A_292 = arith.index_cast %parallel_loop3A_291 : i32 to index
        %parallel_loop3A_293 = arith.index_cast %parallel_loop3A_290 : i32 to index
        %parallel_loop3A_294 = tpu.vector_load %arg8[%parallel_loop3A_292, %parallel_loop3A_293] {strides = array<i32>} : memref<2x10880xf32, #tpu.memory_space<vmem>>, vector<1x16xf32>,
        %parallel_loop3A_295 = vector.shape_cast %parallel_loop3A_294 : vector<1x16xf32> to vector<16xf32>
        %parallel_loop3A_296 = arith.index_cast %parallel_loop3A_289 : i32 to index
        %parallel_loop3A_297 = tpu.vector_load %arg6[%parallel_loop3A_296] {strides = array<i32>} : memref<10784xf32, #tpu.memory_space<vmem>>, vector<16xf32>,
        %parallel_loop3A_298 = vector.shape_cast %parallel_loop3A_297 : vector<16xf32> to vector<16xf32>
        %parallel_loop3A_299 = vector.shape_cast %parallel_loop3A_295 : vector<16xf32> to vector<16xf32>
        tpu.vector_store %arg6[%parallel_loop3A_296], %parallel_loop3A_299 {strides = array<i32>} : memref<10784xf32, #tpu.memory_space<vmem>>, vector<16xf32>,
      } {sc.loop_unroll_factor = 16 : i64, sc.parallel_access}
      %parallel_loop3A_267 = arith.constant 0 : i32
      %parallel_loop3A_268 = arith.constant 10752 : i32
      %parallel_loop3A_269 = arith.constant 16 : i32
      scf.for %parallel_loop3A_289 = %parallel_loop3A_267 to %parallel_loop3A_268 step %parallel_loop3A_269  : i32 {
        %parallel_loop3A_290 = arith.addi %sub3A_86, %parallel_loop3A_289 : i32
        %parallel_loop3A_291 = arith.index_cast %parallel_loop3A_290 : i32 to index
        %parallel_loop3A_292 = tpu.vector_load %arg6[%parallel_loop3A_291] {strides = array<i32>} : memref<10784xf32, #tpu.memory_space<vmem>>, vector<16xf32>,
        %parallel_loop3A_293 = vector.shape_cast %parallel_loop3A_292 : vector<16xf32> to vector<16xf32>
        %parallel_loop3A_294 = arith.constant 0 : i32
        %parallel_loop3A_295 = arith.index_cast %parallel_loop3A_294 : i32 to index
        %parallel_loop3A_296 = arith.index_cast %parallel_loop3A_289 : i32 to index
        %parallel_loop3A_297 = tpu.vector_load %arg10[%parallel_loop3A_295, %parallel_loop3A_296] {strides = array<i32>} : memref<2x10752xf32, #tpu.memory_space<vmem>>, vector<1x16xf32>,
        %parallel_loop3A_298 = vector.shape_cast %parallel_loop3A_297 : vector<1x16xf32> to vector<16xf32>
        %parallel_loop3A_299 = vector.shape_cast %parallel_loop3A_293 : vector<16xf32> to vector<1x16xf32>
        tpu.vector_store %arg10[%parallel_loop3A_295, %parallel_loop3A_296], %parallel_loop3A_299 {strides = array<i32>} : memref<2x10752xf32, #tpu.memory_space<vmem>>, vector<1x16xf32>,
      } {sc.loop_unroll_factor = 16 : i64, sc.parallel_access}
      %parallel_loop3A_270 = arith.constant 0 : i32
      %parallel_loop3A_271 = arith.constant 10768 : i32
      %parallel_loop3A_272 = arith.constant 16 : i32
      scf.for %parallel_loop3A_289 = %parallel_loop3A_270 to %parallel_loop3A_271 step %parallel_loop3A_272  : i32 {
        %parallel_loop3A_290 = arith.addi %multiple_of3A, %parallel_loop3A_289 : i32
        %parallel_loop3A_291 = arith.constant 1 : i32
        %parallel_loop3A_292 = arith.index_cast %parallel_loop3A_291 : i32 to index
        %parallel_loop3A_293 = arith.index_cast %parallel_loop3A_290 : i32 to index
        %parallel_loop3A_294 = tpu.vector_load %arg8[%parallel_loop3A_292, %parallel_loop3A_293] {strides = array<i32>} : memref<2x10880xf32, #tpu.memory_space<vmem>>, vector<1x16xf32>,
        %parallel_loop3A_295 = vector.shape_cast %parallel_loop3A_294 : vector<1x16xf32> to vector<16xf32>
        %parallel_loop3A_296 = arith.index_cast %parallel_loop3A_289 : i32 to index
        %parallel_loop3A_297 = tpu.vector_load %arg6[%parallel_loop3A_296] {strides = array<i32>} : memref<10784xf32, #tpu.memory_space<vmem>>, vector<16xf32>,
        %parallel_loop3A_298 = vector.shape_cast %parallel_loop3A_297 : vector<16xf32> to vector<16xf32>
        %parallel_loop3A_299 = vector.shape_cast %parallel_loop3A_295 : vector<16xf32> to vector<16xf32>
        tpu.vector_store %arg6[%parallel_loop3A_296], %parallel_loop3A_299 {strides = array<i32>} : memref<10784xf32, #tpu.memory_space<vmem>>, vector<16xf32>,
      } {sc.loop_unroll_factor = 16 : i64, sc.parallel_access}
      %parallel_loop3A_273 = arith.constant 0 : i32
      %parallel_loop3A_274 = arith.constant 10752 : i32
      %parallel_loop3A_275 = arith.constant 16 : i32
      scf.for %parallel_loop3A_289 = %parallel_loop3A_273 to %parallel_loop3A_274 step %parallel_loop3A_275  : i32 {
        %parallel_loop3A_290 = arith.addi %sub3A_86, %parallel_loop3A_289 : i32
        %parallel_loop3A_291 = arith.index_cast %parallel_loop3A_290 : i32 to index
        %parallel_loop3A_292 = tpu.vector_load %arg6[%parallel_loop3A_291] {strides = array<i32>} : memref<10784xf32, #tpu.memory_space<vmem>>, vector<16xf32>,
        %parallel_loop3A_293 = vector.shape_cast %parallel_loop3A_292 : vector<16xf32> to vector<16xf32>
        %parallel_loop3A_294 = arith.constant 1 : i32
        %parallel_loop3A_295 = arith.index_cast %parallel_loop3A_294 : i32 to index
        %parallel_loop3A_296 = arith.index_cast %parallel_loop3A_289 : i32 to index
        %parallel_loop3A_297 = tpu.vector_load %arg10[%parallel_loop3A_295, %parallel_loop3A_296] {strides = array<i32>} : memref<2x10752xf32, #tpu.memory_space<vmem>>, vector<1x16xf32>,
        %parallel_loop3A_298 = vector.shape_cast %parallel_loop3A_297 : vector<1x16xf32> to vector<16xf32>
        %parallel_loop3A_299 = vector.shape_cast %parallel_loop3A_293 : vector<16xf32> to vector<1x16xf32>
        tpu.vector_store %arg10[%parallel_loop3A_295, %parallel_loop3A_296], %parallel_loop3A_299 {strides = array<i32>} : memref<2x10752xf32, #tpu.memory_space<vmem>>, vector<1x16xf32>,
      } {sc.loop_unroll_factor = 16 : i64, sc.parallel_access}
      %add3A_276 = arith.constant 1 : i32
      %add3A_277 = arith.addi %mul3A_187, %add3A_276 : i32
      %mul3A_278 = arith.constant 10752 : i32
      %mul3A_279 = arith.muli %add3A_277, %mul3A_278 : i32
      %add3A_280 = arith.addi %sub3A_87, %mul3A_279 : i32
      %multiple_of3A_281 = tpu.assume_multiple %add3A_280, 128 : i32
      %dma_start3A_282 = arith.constant 0 : i32
      %dma_start3A_283 = tpu.memref_slice %arg4[%select_n3A_30, %select_n3A_9, %dma_start3A_282, %multiple_of3A_281] : memref<4x8x2x432808xf32, #tpu.memory_space<hbm>> -> memref<1x1x2x10752xf32, #tpu.memory_space<hbm>>
      %dma_start3A_284 = tpu.memref_squeeze %dma_start3A_283 : memref<1x1x2x10752xf32, #tpu.memory_space<hbm>> -> memref<2x10752xf32, #tpu.memory_space<hbm>>
      %dma_start3A_285 = arith.constant 0 : i32
      %dma_start3A_286 = tpu.memref_slice %arg4[%select_n3A_30, %select_n3A_9, %dma_start3A_285, %multiple_of3A_281] : memref<4x8x2x432808xf32, #tpu.memory_space<hbm>> -> memref<1x1x2x10752xf32, #tpu.memory_space<hbm>>
      %dma_start3A_287 = tpu.memref_squeeze %dma_start3A_286 : memref<1x1x2x10752xf32, #tpu.memory_space<hbm>> -> memref<2x10752xf32, #tpu.memory_space<hbm>>
      tpu.enqueue_dma source(%arg10 : memref<2x10752xf32, #tpu.memory_space<vmem>>) target(%dma_start3A_287 : memref<2x10752xf32, #tpu.memory_space<hbm>>) target_semaphore(%arg14 : memref<!tpu.dma_semaphore, #tpu.memory_space<semaphore_mem>>)
      %scan3A_288 = arith.constant 0 : i32
      scf.yield %scan3A_288 : i32
    }
    %scan3A_107 = arith.constant 20 : i32
    %add3A_108 = arith.constant 430080 : i32
    %add3A_109 = arith.addi %mul3A_58, %add3A_108 : i32
    %multiple_of3A_110 = tpu.assume_multiple %add3A_109, 128 : i32
    %dma_start3A_111 = arith.constant 0 : i32
    %dma_start3A_112 = arith.constant 0 : i32
    %dma_start3A_113 = tpu.memref_slice %arg7[%dma_start3A_111, %dma_start3A_112] : memref<2x10880xf32, #tpu.memory_space<vmem>> -> memref<2x2944xf32, #tpu.memory_space<vmem>>
    %dma_start3A_114 = arith.constant 0 : i32
    %dma_start3A_115 = tpu.memref_slice %arg2[%select_n3A_30, %select_n3A_9, %dma_start3A_114, %multiple_of3A_110] : memref<4x8x2x441000xf32, #tpu.memory_space<hbm>> -> memref<1x1x2x2944xf32, #tpu.memory_space<hbm>>
    %dma_start3A_116 = tpu.memref_squeeze %dma_start3A_115 : memref<1x1x2x2944xf32, #tpu.memory_space<hbm>> -> memref<2x2944xf32, #tpu.memory_space<hbm>>
    %dma_start3A_117 = arith.constant 0 : i32
    %dma_start3A_118 = arith.constant 0 : i32
    %dma_start3A_119 = tpu.memref_slice %arg7[%dma_start3A_117, %dma_start3A_118] : memref<2x10880xf32, #tpu.memory_space<vmem>> -> memref<2x2944xf32, #tpu.memory_space<vmem>>
    %dma_start3A_120 = arith.constant 0 : i32
    %dma_start3A_121 = tpu.memref_slice %arg2[%select_n3A_30, %select_n3A_9, %dma_start3A_120, %multiple_of3A_110] : memref<4x8x2x441000xf32, #tpu.memory_space<hbm>> -> memref<1x1x2x2944xf32, #tpu.memory_space<hbm>>
    %dma_start3A_122 = tpu.memref_squeeze %dma_start3A_121 : memref<1x1x2x2944xf32, #tpu.memory_space<hbm>> -> memref<2x2944xf32, #tpu.memory_space<hbm>>
    tpu.enqueue_dma source(%dma_start3A_122 : memref<2x2944xf32, #tpu.memory_space<hbm>>) target(%dma_start3A_119 : memref<2x2944xf32, #tpu.memory_space<vmem>>) target_semaphore(%arg11 : memref<!tpu.dma_semaphore, #tpu.memory_space<semaphore_mem>>)
    %dma_wait3A = arith.constant 0 : i32
    %dma_wait3A_123 = arith.constant 0 : i32
    %dma_wait3A_124 = tpu.memref_slice %arg7[%dma_wait3A, %dma_wait3A_123] : memref<2x10880xf32, #tpu.memory_space<vmem>> -> memref<2x2944xf32, #tpu.memory_space<vmem>>
    %dma_wait3A_125 = arith.constant 0 : i32
    %dma_wait3A_126 = tpu.memref_slice %arg2[%select_n3A_30, %select_n3A_9, %dma_wait3A_125, %multiple_of3A_110] : memref<4x8x2x441000xf32, #tpu.memory_space<hbm>> -> memref<1x1x2x2944xf32, #tpu.memory_space<hbm>>
    %dma_wait3A_127 = tpu.memref_squeeze %dma_wait3A_126 : memref<1x1x2x2944xf32, #tpu.memory_space<hbm>> -> memref<2x2944xf32, #tpu.memory_space<hbm>>
    %dma_wait3A_128 = arith.constant 0 : i32
    %dma_wait3A_129 = arith.constant 0 : i32
    %dma_wait3A_130 = tpu.memref_slice %arg7[%dma_wait3A_128, %dma_wait3A_129] : memref<2x10880xf32, #tpu.memory_space<vmem>> -> memref<2x2944xf32, #tpu.memory_space<vmem>>
    %dma_wait3A_131 = arith.constant 0 : i32
    %dma_wait3A_132 = tpu.memref_slice %arg2[%select_n3A_30, %select_n3A_9, %dma_wait3A_131, %multiple_of3A_110] : memref<4x8x2x441000xf32, #tpu.memory_space<hbm>> -> memref<1x1x2x2944xf32, #tpu.memory_space<hbm>>
    %dma_wait3A_133 = tpu.memref_squeeze %dma_wait3A_132 : memref<1x1x2x2944xf32, #tpu.memory_space<hbm>> -> memref<2x2944xf32, #tpu.memory_space<hbm>>
    tpu.wait_dma2 semaphore(%arg11 : memref<!tpu.dma_semaphore, #tpu.memory_space<semaphore_mem>>) src(%dma_wait3A_133 : memref<2x2944xf32, #tpu.memory_space<hbm>>) dst(%dma_wait3A_130 : memref<2x2944xf32, #tpu.memory_space<vmem>>)
    %dma_wait3A_134 = arith.constant 0 : i32
    %dma_wait3A_135 = tpu.memref_slice %arg4[%select_n3A_30, %select_n3A_9, %dma_wait3A_134, %sub3A_87] : memref<4x8x2x432808xf32, #tpu.memory_space<hbm>> -> memref<1x1x2x10752xf32, #tpu.memory_space<hbm>>
    %dma_wait3A_136 = tpu.memref_squeeze %dma_wait3A_135 : memref<1x1x2x10752xf32, #tpu.memory_space<hbm>> -> memref<2x10752xf32, #tpu.memory_space<hbm>>
    %dma_wait3A_137 = arith.constant 0 : i32
    %dma_wait3A_138 = tpu.memref_slice %arg4[%select_n3A_30, %select_n3A_9, %dma_wait3A_137, %sub3A_87] : memref<4x8x2x432808xf32, #tpu.memory_space<hbm>> -> memref<1x1x2x10752xf32, #tpu.memory_space<hbm>>
    %dma_wait3A_139 = tpu.memref_squeeze %dma_wait3A_138 : memref<1x1x2x10752xf32, #tpu.memory_space<hbm>> -> memref<2x10752xf32, #tpu.memory_space<hbm>>
    tpu.wait_dma2 semaphore(%arg13 : memref<!tpu.dma_semaphore, #tpu.memory_space<semaphore_mem>>) src(%arg9 : memref<2x10752xf32, #tpu.memory_space<vmem>>) dst(%dma_wait3A_139 : memref<2x10752xf32, #tpu.memory_space<hbm>>)
    %parallel_loop3A = arith.constant 0 : i32
    %parallel_loop3A_140 = arith.constant 2832 : i32
    %parallel_loop3A_141 = arith.constant 16 : i32
    scf.for %parallel_loop3A_184 = %parallel_loop3A to %parallel_loop3A_140 step %parallel_loop3A_141  : i32 {
      %parallel_loop3A_185 = arith.addi %multiple_of3A, %parallel_loop3A_184 : i32
      %parallel_loop3A_186 = arith.constant 0 : i32
      %parallel_loop3A_187 = arith.index_cast %parallel_loop3A_186 : i32 to index
      %parallel_loop3A_188 = arith.index_cast %parallel_loop3A_185 : i32 to index
      %parallel_loop3A_189 = tpu.vector_load %arg7[%parallel_loop3A_187, %parallel_loop3A_188] {strides = array<i32>} : memref<2x10880xf32, #tpu.memory_space<vmem>>, vector<1x16xf32>,
      %parallel_loop3A_190 = vector.shape_cast %parallel_loop3A_189 : vector<1x16xf32> to vector<16xf32>
      %parallel_loop3A_191 = arith.index_cast %parallel_loop3A_184 : i32 to index
      %parallel_loop3A_192 = tpu.vector_load %arg6[%parallel_loop3A_191] {strides = array<i32>} : memref<10784xf32, #tpu.memory_space<vmem>>, vector<16xf32>,
      %parallel_loop3A_193 = vector.shape_cast %parallel_loop3A_192 : vector<16xf32> to vector<16xf32>
      %parallel_loop3A_194 = vector.shape_cast %parallel_loop3A_190 : vector<16xf32> to vector<16xf32>
      tpu.vector_store %arg6[%parallel_loop3A_191], %parallel_loop3A_194 {strides = array<i32>} : memref<10784xf32, #tpu.memory_space<vmem>>, vector<16xf32>,
    } {sc.loop_unroll_factor = 16 : i64, sc.parallel_access}
    %parallel_loop3A_142 = arith.constant 0 : i32
    %parallel_loop3A_143 = arith.constant 2816 : i32
    %parallel_loop3A_144 = arith.constant 16 : i32
    scf.for %parallel_loop3A_184 = %parallel_loop3A_142 to %parallel_loop3A_143 step %parallel_loop3A_144  : i32 {
      %parallel_loop3A_185 = arith.addi %sub3A_86, %parallel_loop3A_184 : i32
      %parallel_loop3A_186 = arith.index_cast %parallel_loop3A_185 : i32 to index
      %parallel_loop3A_187 = tpu.vector_load %arg6[%parallel_loop3A_186] {strides = array<i32>} : memref<10784xf32, #tpu.memory_space<vmem>>, vector<16xf32>,
      %parallel_loop3A_188 = vector.shape_cast %parallel_loop3A_187 : vector<16xf32> to vector<16xf32>
      %parallel_loop3A_189 = arith.constant 0 : i32
      %parallel_loop3A_190 = arith.index_cast %parallel_loop3A_189 : i32 to index
      %parallel_loop3A_191 = arith.index_cast %parallel_loop3A_184 : i32 to index
      %parallel_loop3A_192 = tpu.vector_load %arg9[%parallel_loop3A_190, %parallel_loop3A_191] {strides = array<i32>} : memref<2x10752xf32, #tpu.memory_space<vmem>>, vector<1x16xf32>,
      %parallel_loop3A_193 = vector.shape_cast %parallel_loop3A_192 : vector<1x16xf32> to vector<16xf32>
      %parallel_loop3A_194 = vector.shape_cast %parallel_loop3A_188 : vector<16xf32> to vector<1x16xf32>
      tpu.vector_store %arg9[%parallel_loop3A_190, %parallel_loop3A_191], %parallel_loop3A_194 {strides = array<i32>} : memref<2x10752xf32, #tpu.memory_space<vmem>>, vector<1x16xf32>,
    } {sc.loop_unroll_factor = 16 : i64, sc.parallel_access}
    %parallel_loop3A_145 = arith.constant 0 : i32
    %parallel_loop3A_146 = arith.constant 2832 : i32
    %parallel_loop3A_147 = arith.constant 16 : i32
    scf.for %parallel_loop3A_184 = %parallel_loop3A_145 to %parallel_loop3A_146 step %parallel_loop3A_147  : i32 {
      %parallel_loop3A_185 = arith.addi %multiple_of3A, %parallel_loop3A_184 : i32
      %parallel_loop3A_186 = arith.constant 1 : i32
      %parallel_loop3A_187 = arith.index_cast %parallel_loop3A_186 : i32 to index
      %parallel_loop3A_188 = arith.index_cast %parallel_loop3A_185 : i32 to index
      %parallel_loop3A_189 = tpu.vector_load %arg7[%parallel_loop3A_187, %parallel_loop3A_188] {strides = array<i32>} : memref<2x10880xf32, #tpu.memory_space<vmem>>, vector<1x16xf32>,
      %parallel_loop3A_190 = vector.shape_cast %parallel_loop3A_189 : vector<1x16xf32> to vector<16xf32>
      %parallel_loop3A_191 = arith.index_cast %parallel_loop3A_184 : i32 to index
      %parallel_loop3A_192 = tpu.vector_load %arg6[%parallel_loop3A_191] {strides = array<i32>} : memref<10784xf32, #tpu.memory_space<vmem>>, vector<16xf32>,
      %parallel_loop3A_193 = vector.shape_cast %parallel_loop3A_192 : vector<16xf32> to vector<16xf32>
      %parallel_loop3A_194 = vector.shape_cast %parallel_loop3A_190 : vector<16xf32> to vector<16xf32>
      tpu.vector_store %arg6[%parallel_loop3A_191], %parallel_loop3A_194 {strides = array<i32>} : memref<10784xf32, #tpu.memory_space<vmem>>, vector<16xf32>,
    } {sc.loop_unroll_factor = 16 : i64, sc.parallel_access}
    %parallel_loop3A_148 = arith.constant 0 : i32
    %parallel_loop3A_149 = arith.constant 2816 : i32
    %parallel_loop3A_150 = arith.constant 16 : i32
    scf.for %parallel_loop3A_184 = %parallel_loop3A_148 to %parallel_loop3A_149 step %parallel_loop3A_150  : i32 {
      %parallel_loop3A_185 = arith.addi %sub3A_86, %parallel_loop3A_184 : i32
      %parallel_loop3A_186 = arith.index_cast %parallel_loop3A_185 : i32 to index
      %parallel_loop3A_187 = tpu.vector_load %arg6[%parallel_loop3A_186] {strides = array<i32>} : memref<10784xf32, #tpu.memory_space<vmem>>, vector<16xf32>,
      %parallel_loop3A_188 = vector.shape_cast %parallel_loop3A_187 : vector<16xf32> to vector<16xf32>
      %parallel_loop3A_189 = arith.constant 1 : i32
      %parallel_loop3A_190 = arith.index_cast %parallel_loop3A_189 : i32 to index
      %parallel_loop3A_191 = arith.index_cast %parallel_loop3A_184 : i32 to index
      %parallel_loop3A_192 = tpu.vector_load %arg9[%parallel_loop3A_190, %parallel_loop3A_191] {strides = array<i32>} : memref<2x10752xf32, #tpu.memory_space<vmem>>, vector<1x16xf32>,
      %parallel_loop3A_193 = vector.shape_cast %parallel_loop3A_192 : vector<1x16xf32> to vector<16xf32>
      %parallel_loop3A_194 = vector.shape_cast %parallel_loop3A_188 : vector<16xf32> to vector<1x16xf32>
      tpu.vector_store %arg9[%parallel_loop3A_190, %parallel_loop3A_191], %parallel_loop3A_194 {strides = array<i32>} : memref<2x10752xf32, #tpu.memory_space<vmem>>, vector<1x16xf32>,
    } {sc.loop_unroll_factor = 16 : i64, sc.parallel_access}
    %add3A_151 = arith.constant 430080 : i32
    %add3A_152 = arith.addi %sub3A_87, %add3A_151 : i32
    %multiple_of3A_153 = tpu.assume_multiple %add3A_152, 128 : i32
    %dma_start3A_154 = arith.constant 0 : i32
    %dma_start3A_155 = arith.constant 0 : i32
    %dma_start3A_156 = tpu.memref_slice %arg9[%dma_start3A_154, %dma_start3A_155] : memref<2x10752xf32, #tpu.memory_space<vmem>> -> memref<2x2816xf32, #tpu.memory_space<vmem>>
    %dma_start3A_157 = arith.constant 0 : i32
    %dma_start3A_158 = tpu.memref_slice %arg4[%select_n3A_30, %select_n3A_9, %dma_start3A_157, %multiple_of3A_153] : memref<4x8x2x432808xf32, #tpu.memory_space<hbm>> -> memref<1x1x2x2816xf32, #tpu.memory_space<hbm>>
    %dma_start3A_159 = tpu.memref_squeeze %dma_start3A_158 : memref<1x1x2x2816xf32, #tpu.memory_space<hbm>> -> memref<2x2816xf32, #tpu.memory_space<hbm>>
    %dma_start3A_160 = arith.constant 0 : i32
    %dma_start3A_161 = tpu.memref_slice %arg4[%select_n3A_30, %select_n3A_9, %dma_start3A_160, %multiple_of3A_153] : memref<4x8x2x432808xf32, #tpu.memory_space<hbm>> -> memref<1x1x2x2816xf32, #tpu.memory_space<hbm>>
    %dma_start3A_162 = tpu.memref_squeeze %dma_start3A_161 : memref<1x1x2x2816xf32, #tpu.memory_space<hbm>> -> memref<2x2816xf32, #tpu.memory_space<hbm>>
    %dma_start3A_163 = arith.constant 0 : i32
    %dma_start3A_164 = arith.constant 0 : i32
    %dma_start3A_165 = tpu.memref_slice %arg9[%dma_start3A_163, %dma_start3A_164] : memref<2x10752xf32, #tpu.memory_space<vmem>> -> memref<2x2816xf32, #tpu.memory_space<vmem>>
    tpu.enqueue_dma source(%dma_start3A_165 : memref<2x2816xf32, #tpu.memory_space<vmem>>) target(%dma_start3A_162 : memref<2x2816xf32, #tpu.memory_space<hbm>>) target_semaphore(%arg13 : memref<!tpu.dma_semaphore, #tpu.memory_space<semaphore_mem>>)
    %dma_wait3A_166 = arith.constant 0 : i32
    %dma_wait3A_167 = arith.constant 0 : i32
    %dma_wait3A_168 = tpu.memref_slice %arg9[%dma_wait3A_166, %dma_wait3A_167] : memref<2x10752xf32, #tpu.memory_space<vmem>> -> memref<2x2816xf32, #tpu.memory_space<vmem>>
    %dma_wait3A_169 = arith.constant 0 : i32
    %dma_wait3A_170 = tpu.memref_slice %arg4[%select_n3A_30, %select_n3A_9, %dma_wait3A_169, %multiple_of3A_153] : memref<4x8x2x432808xf32, #tpu.memory_space<hbm>> -> memref<1x1x2x2816xf32, #tpu.memory_space<hbm>>
    %dma_wait3A_171 = tpu.memref_squeeze %dma_wait3A_170 : memref<1x1x2x2816xf32, #tpu.memory_space<hbm>> -> memref<2x2816xf32, #tpu.memory_space<hbm>>
    %dma_wait3A_172 = arith.constant 0 : i32
    %dma_wait3A_173 = tpu.memref_slice %arg4[%select_n3A_30, %select_n3A_9, %dma_wait3A_172, %multiple_of3A_153] : memref<4x8x2x432808xf32, #tpu.memory_space<hbm>> -> memref<1x1x2x2816xf32, #tpu.memory_space<hbm>>
    %dma_wait3A_174 = tpu.memref_squeeze %dma_wait3A_173 : memref<1x1x2x2816xf32, #tpu.memory_space<hbm>> -> memref<2x2816xf32, #tpu.memory_space<hbm>>
    %dma_wait3A_175 = arith.constant 0 : i32
    %dma_wait3A_176 = arith.constant 0 : i32
    %dma_wait3A_177 = tpu.memref_slice %arg9[%dma_wait3A_175, %dma_wait3A_176] : memref<2x10752xf32, #tpu.memory_space<vmem>> -> memref<2x2816xf32, #tpu.memory_space<vmem>>
    tpu.wait_dma2 semaphore(%arg13 : memref<!tpu.dma_semaphore, #tpu.memory_space<semaphore_mem>>) src(%dma_wait3A_177 : memref<2x2816xf32, #tpu.memory_space<vmem>>) dst(%dma_wait3A_174 : memref<2x2816xf32, #tpu.memory_space<hbm>>)
    %dma_wait3A_178 = arith.constant 0 : i32
    %dma_wait3A_179 = tpu.memref_slice %arg4[%select_n3A_30, %select_n3A_9, %dma_wait3A_178, %sub3A_87] : memref<4x8x2x432808xf32, #tpu.memory_space<hbm>> -> memref<1x1x2x10752xf32, #tpu.memory_space<hbm>>
    %dma_wait3A_180 = tpu.memref_squeeze %dma_wait3A_179 : memref<1x1x2x10752xf32, #tpu.memory_space<hbm>> -> memref<2x10752xf32, #tpu.memory_space<hbm>>
    %dma_wait3A_181 = arith.constant 0 : i32
    %dma_wait3A_182 = tpu.memref_slice %arg4[%select_n3A_30, %select_n3A_9, %dma_wait3A_181, %sub3A_87] : memref<4x8x2x432808xf32, #tpu.memory_space<hbm>> -> memref<1x1x2x10752xf32, #tpu.memory_space<hbm>>
    %dma_wait3A_183 = tpu.memref_squeeze %dma_wait3A_182 : memref<1x1x2x10752xf32, #tpu.memory_space<hbm>> -> memref<2x10752xf32, #tpu.memory_space<hbm>>
    tpu.wait_dma2 semaphore(%arg14 : memref<!tpu.dma_semaphore, #tpu.memory_space<semaphore_mem>>) src(%arg10 : memref<2x10752xf32, #tpu.memory_space<vmem>>) dst(%dma_wait3A_183 : memref<2x10752xf32, #tpu.memory_space<hbm>>)
    return
  }
}

</mosaic_0001>

<sc_bundles>
// kernel: kernel.3.cloned.1.call-start
scs
__scs_entry_jumppad:
0x0: {  	(pc) =	sbr.rel $0x88, $3  }
0x1: {  	(tag) =	ssettag $0x0;
	lr =	simm.s32 $0x1  }
0x2: {  	[smem:$0x3F9F] =	sst lr;
	_ =	strace $0xD0000000  }
0x3: {  	_ = 	snop  }
0x4: {  	_ = 	snop  }
0x5: {  	_ = 	snop  }
0x6: {  	_ = 	snop  }
0x7: {  	_ = 	snop  }
__scs_overlays_trampoline_lowered:
0x8: {  	[smem:$0x3FAE] =	sst s0  }
0x9: {  	[smem:$0x3FAF] =	sst s1  }
0xa: {  	[smem:$0x3FB0] =	sst s2  }
0xb: {  	[smem:$0x3FB1] =	sst s3  }
0xc: {  	[smem:$0x3FB2] =	sst s4  }
0xd: {  	[smem:$0x3FB3] =	sst s5  }
0xe: {  	[smem:$0x3FB4] =	sst s6  }
0xf: {  	[smem:$0x3FB5] =	sst s7  }
0x10: {  	[smem:$0x3FB6] =	sst s8  }
0x11: {  	[smem:$0x3FB7] =	sst s9;
	s0 =	simm.s32 @!p0 $0x0  }
0x12: {  	s1 =	sld [smem:$0x3F9D];
	s0 =	simm.s32 @p0 $0x1  }
0x13: {  	[smem:$0x3FB8] =	sst s0;
	s0 =	simm.s32 @!p1 $0x0  }
0x14: {  	s2 =	sld [smem:$0x3F9C];
	s0 =	simm.s32 @p1 $0x1  }
0x15: {  	[smem:$0x3FB9] =	sst s0;
	s0 =	simm.s32 @!p2 $0x0  }
0x16: {  	s3 =	sld [smem:$0x3FDB];
	s0 =	simm.s32 @p2 $0x1  }
0x17: {  	s4 =	simm.s32 $0x1BF5;
	[smem:$0x3FBB] =	sst s0  }
0x18: {  	s0 =	sld [smem:$0x3F9E];
	_ =	swait.ge [sflag:s4], $0x0  }
0x19: {  	s7 =	sld [smem:$0x3F9F]  }
0x1a: {  	s8 =	sadd.s32 $0xFFFFE003, lr  }
0x1b: {  	s9 =	sadd.s32 $0xFFFFFEF7, lr;
	s5 =	simm.s32 $0xFFFFFFFF;
	p2 =	slt.u32 s8, $0xFFFFF086  }
0x1c: {  	p1 =	slt.u32 s9, $0xF7A;
	s5 =	simm.s32 @!p2 $0x0  }
0x1d: {  	s5 =	simm.s32 @p1 $0x1;
	p0 =	seq.s32 s7, s2  }
0x1e: {  	s7 =	smul.u32 @!p0 $0xF7A, s2;
	p2 =	seq.s32 @!p0 s5, $0x0  }
0x1f: {  	s9 =	smul.u32 $0xF7A, s1;
	s8 =	simm.s32 @!p0 $0x1BF5;
	p2 =	por !p2, p0  }
0x20: {  	[sflag:s8] =	ssyncset.s32 @!p0 $0xFFFFF086;
	s6 =	sadd.s32 @!p0 s3, s7;
	s7 =	simm.s32 @!p0 $0x108  }
0x21: {  	s3 =	sadd.s32 s3, s9;
	s6 =	sadd.s32 @!p0 $0x88, s6;
	s7 =	simm.s32 @p2 $0x1082  }
0x22: {  	[simem:s7], [sflag:s8] =	dma.local @!p0 [hbm:s6], $0xF7A  }
0x23: {  	s9 =	sor.u32 $0xD0000000, s2;
	s6 =	simm.s32 $0x108;
	_ =	swait.ge @!p0 [sflag:s8], $0x0  }
0x24: {  	s3 =	sadd.s32 $0x88, s3;
	s6 =	simm.s32 @!p1 $0x1082;
	[sflag:s4] =	ssyncset.s32 $0xFFFFF086  }
0x25: {  	[simem:s6], [sflag:s4] =	dma.local [hbm:s3], $0xF7A  }
0x26: {  	[smem:$0x3F9F] =	sst s1;
	(tag) =	ssettag s2;
	_ =	strace s9  }
0x27: {  	s1 =	sld [smem:$0x3FAF]  }
0x28: {  	s2 =	sld [smem:$0x3FB0]  }
0x29: {  	s4 =	sld [smem:$0x3FB2]  }
0x2a: {  	p0 =	seq.s32 s5, $0x0;
	s5 =	sld [smem:$0x3FB3]  }
0x2b: {  	s6 =	sld [smem:$0x3FB4]  }
0x2c: {  	s7 =	sld [smem:$0x3FB5]  }
0x2d: {  	s3 =	simm.s32 $0x108;
	s8 =	sld [smem:$0x3FB6]  }
0x2e: {  	s3 =	simm.s32 @!p0 $0x1082;
	s9 =	sld [smem:$0x3FB7]  }
0x2f: {  	lr =	sadd.s32 s0, s3;
	s0 =	sld [smem:$0x3FAE]  }
0x30: {  	s3 =	sld [smem:$0x3FB1]  }
0x31: {  	[smem:$0x3FBA] =	sst s10  }
0x32: {  	s10 =	sld [smem:$0x3FB8];
	_ =	sdelay $0x3  }
0x33: {  	p0 =	seq.s32 s10, $0x1;
	s10 =	sld [smem:$0x3FBA];
	_ =	sdelay $0x3  }
0x34: {  	[smem:$0x3FBA] =	sst s10  }
0x35: {  	s10 =	sld [smem:$0x3FB9];
	_ =	sdelay $0x3  }
0x36: {  	p1 =	seq.s32 s10, $0x1;
	s10 =	sld [smem:$0x3FBA];
	_ =	sdelay $0x3  }
0x37: {  	[smem:$0x3FBA] =	sst s10  }
0x38: {  	s10 =	sld [smem:$0x3FBB]  }
0x39: {  	_ = 	snop;
	(pc) =	sbr.ind lr, $3  }
0x3a: {  	_ = 	snop  }
0x3b: {  	_ = 	snop  }
0x3c: {  	p2 =	seq.s32 s10, $0x1;
	s10 =	sld [smem:$0x3FBA]  }
0x3d: {  	_ =	shalt  }
0x3e: {  	_ =	shalt  }
0x3f: {  	_ =	shalt  }
0x40: {  	_ =	shalt  }
0x41: {  	_ =	shalt  }
0x42: {  	_ =	shalt  }
0x43: {  	_ =	shalt  }
0x44: {  	_ =	shalt  }
0x45: {  	_ =	shalt  }
0x46: {  	_ =	shalt  }
0x47: {  	_ =	shalt  }
0x48: {  	_ =	shalt  }
0x49: {  	_ =	shalt  }
0x4a: {  	_ =	shalt  }
0x4b: {  	_ =	shalt  }
0x4c: {  	_ =	shalt  }
0x4d: {  	_ =	shalt  }
0x4e: {  	_ =	shalt  }
0x4f: {  	_ =	shalt  }
0x50: {  	_ =	shalt  }
0x51: {  	_ =	shalt  }
0x52: {  	_ =	shalt  }
0x53: {  	_ =	shalt  }
0x54: {  	_ =	shalt  }
0x55: {  	_ =	shalt  }
0x56: {  	_ =	shalt  }
0x57: {  	_ =	shalt  }
0x58: {  	_ =	shalt  }
0x59: {  	_ =	shalt  }
0x5a: {  	_ =	shalt  }
0x5b: {  	_ =	shalt  }
0x5c: {  	_ =	shalt  }
0x5d: {  	_ =	shalt  }
0x5e: {  	_ =	shalt  }
0x5f: {  	_ =	shalt  }
0x60: {  	_ =	shalt  }
0x61: {  	_ =	shalt  }
0x62: {  	_ =	shalt  }
0x63: {  	_ =	shalt  }
0x64: {  	_ =	shalt  }
0x65: {  	_ =	shalt  }
0x66: {  	_ =	shalt  }
0x67: {  	_ =	shalt  }
0x68: {  	_ =	shalt  }
0x69: {  	_ =	shalt  }
0x6a: {  	_ =	shalt  }
0x6b: {  	_ =	shalt  }
0x6c: {  	_ =	shalt  }
0x6d: {  	_ =	shalt  }
0x6e: {  	_ =	shalt  }
0x6f: {  	_ =	shalt  }
0x70: {  	_ =	shalt  }
0x71: {  	_ =	shalt  }
0x72: {  	_ =	shalt  }
0x73: {  	_ =	shalt  }
0x74: {  	_ =	shalt  }
0x75: {  	_ =	shalt  }
0x76: {  	_ =	shalt  }
0x77: {  	_ =	shalt  }
0x78: {  	_ =	shalt  }
0x79: {  	_ =	shalt  }
0x7a: {  	_ =	shalt  }
0x7b: {  	_ =	shalt  }
0x7c: {  	_ =	shalt  }
0x7d: {  	_ =	shalt  }
0x7e: {  	_ =	shalt  }
0x7f: {  	_ =	shalt  }
0x80: {  	_ =	shalt  }
0x81: {  	_ =	shalt  }
0x82: {  	_ =	shalt  }
0x83: {  	_ =	shalt  }
0x84: {  	_ =	shalt  }
0x85: {  	_ =	shalt  }
0x86: {  	_ =	shalt  }
0x87: {  	_ =	shalt  }
.Lfunc_end0:
.L_simem_size_0:
called_computation_lowered:
.L_overlay_start_0:
0x88: {  	s2 =	sld [smem:$0x3FD9]  }
0x89: {  	s3 =	sld [smem:$0x3FFE];
	_ =	sdelay $0x1  }
0x8a: {  	s1 =	srdreg.scid  }
0x8b: {  	s0 =	sand.u32 $0x1, s1  }
0x8c: {  	s17 =	sshll.u32 s0, $0xA;
	s2 =	sadd.s32 s3, s2  }
0x8d: {  	s2 =	sadd.s32 s2, s17  }
0x8e: {  	[smem:$0x3FC6] =	sst s2  }
0x8f: {  	_ = 	snop  }
0x90: {  	s2 =	sld [smem:$0x3FC9]  }
0x91: {  	s18 =	sld [smem:$0x3FD0];
	(tm) =	ssettm $0x1  }
0x92: {  	s4 =	sld [smem:$0x3FFB];
	_ =	sdelay $0x3  }
0x93: {  	_ =	strace s4  }
0x94: {  	s4 =	sld [smem:$0x3FFC];
	_ =	sdelay $0x3  }
0x95: {  	_ =	strace s4  }
0x96: {  	s4 =	sld [smem:$0x3FFD];
	_ =	sdelay $0x3  }
0x97: {  	_ =	strace s4  }
0x98: {  	_ =	strace $0x8FFFFFFF  }
0x99: {  	s19 =	sld [smem:$0x3FDB];
	_ =	sdelay $0x1  }
0x9a: {  	s5 =	simm.s32 $_scs_section_size  }
0x9b: {  	s6 =	simm.s32 $_size__tile_overlayer_lowered;
	s7 =	simm.s32 $_tile_overlayer_lowered  }
0x9c: {  	s22 =	simm.s32 $0x1BFF;
	s21 =	sshll.u32 s7, $0x1;
	s4 =	sadd.s32 s5, s19  }
0x9d: {  	s8 =	simm.s32 $0x0;
	s20 =	sshll.u32 s6, $0x1;
	s6 =	sadd.s32 s21, s4  }
0x9e: {  	[timem:s8], [sflag:s22] =	dma.local [hbm:s6], s20  }
0x9f: {  	_ =	swait.ge [sflag:s22], s20  }
0xa0: {  	s5 =	ssub.s32 $0x0, s20;
	[sflag:s22] =	ssyncset.done $0x0  }
0xa1: {  	[sflag:s22] =	ssyncadd.s32 s5;
	_ =	sdelay $0x1  }
0xa2: {  	s23 =	simm.s32 $0x1B8B  }
0xa3: {  	_ =	swait.ge [sflag:s23], $0x1  }
0xa4: {  	[sflag:s23] =	ssyncset.done $0x0  }
0xa5: {  	s25 =	simm.s32 $0x1B8E;
	s24 =	sld [smem:$0x3FFE];
	[sflag:s23] =	ssyncadd.s32 $0xFFFFFFFF  }
0xa6: {  	s26 =	simm.s32 $execute0_lowered;
	[smem:$0x3FD2] =	sst s25  }
0xa7: {  	s6 =	sshll.u32 s26, $0x1;
	_ =	strace $0x80000046;
	[dreg:$0x1] =	wrdreg $0xFFFFFFFF  }
0xa8: {  	s28 =	simm.s32 $_size_execute0_lowered;
	s4 =	sadd.s32 s4, s6;
	[dreg:$0x0] =	wrdreg $0x0  }
0xa9: {  	s6 =	sshll.u32 s28, $0x1;
	[dreg:$0x2] =	wrdreg s4  }
0xaa: {  	[dreg:$0x3] =	wrdreg s6  }
0xab: {  	[dreg:$0x4] =	wrdreg $0xC0  }
0xac: {  	_ =	task [dreg:s8], $0x5FFFF  }
0xad: {  	[dreg:$0x1] =	wrdreg $0xFFFFFFFF  }
0xae: {  	[dreg:$0x0] =	wrdreg $0x60  }
0xaf: {  	[dreg:$0x2] =	wrdreg s2  }
0xb0: {  	[dreg:$0x3] =	wrdreg s24  }
0xb1: {  	[dreg:$0x4] =	wrdreg s18  }
0xb2: {  	[dreg:$0x5] =	wrdreg $0x9  }
0xb3: {  	_ =	task.clear_ibuf [dreg:s8], $0x6FFFF;
	_ =	strace $0x90000046  }
0xb4: {  	s29 =	simm.s32 $0x9;
	_ =	strace $0x80000048  }
0xb5: {  	_ =	swait.ge [sflag:s29], $0x1  }
0xb6: {  	[sflag:s29] =	ssyncadd.s32 $0xFFFFFFFF  }
0xb7: {  	_ =	strace $0x90000048  }
0xb8: {  	_ =	sfence  }
0xb9: {  	s30 =	sld [smem:$0x0];
	_ =	sdelay $0x2  }
0xba: {  	s31 =	sshll.u32 s1, $0xD;
	s1 =	sshrl.u32 s1, $0x2  }
0xbb: {  	s3 =	sand.u32 $0x4000, s31;
	s1 =	sadd.s32 s1, s30  }
0xbc: {  	s0 =	sor.u32 s3, s0;
	s1 =	sshll.u32 s1, $0x11  }
0xbd: {  	s0 =	sor.u32 s1, s0  }
0xbe: {  	s0 =	sadd.s32 $0x8F2B, s0  }
0xbf: {  	[sflag:s0] =	ssyncadd.remote.s32 $0x1  }
0xc0: {  	_ =	sfence.sel $0xFFFF  }
0xc1: {  	[dreg:$0x0] =	wrdreg $0xFFFFFFFF;
	(pc) =	sbr.abs _section_cstart, $3  }
0xc2: {  	[dreg:$0x1] =	wrdreg $0xFFFFFFFF  }
0xc3: {  	_ =	task.clear_ibuf [dreg:s8], $0x2FFFF;
	_ =	strace $0x9FFFFFFF  }
0xc4: {  	(tm) =	ssettm $0x7FFFFFFF  }
0xc5: {  	_ =	shalt  }
tec
execute0_lowered:
.L_overlay_start_1:
0x0: {  	(tag) =	ssettag $0x1  }
0x1: {  	s0 =	rddreg [dreg:$0x1]  }
0x2: {  	s6 =	rddreg [dreg:$0x2]  }
0x3: {  	s3 =	stileid.u32;
	s1 =	srdreg.scid;
	s7 =	simm.s32 $0x0  }
0x4: {  	s2 =	sshll.u32 s3, $0x1;
	s3 =	sshrl.u32 s3, $0x2;
	s1 =	sand.u32 $0x1, s1  }
0x5: {  	[smem:$0x7FF] =	sst s7;
	s0 =	sadd.s32 $0x400, s0;
	s4 =	smul.u32 $0x6BB000, s3  }
0x6: {  	s2 =	sand.u32 $0x6, s2;
	s25 =	smul.u32 $0x69B000, s3;
	s28 =	ssub.s32 $0x2, s1  }
0x7: {  	_ =	strace $0x80000047;
	s5 =	sor.u32 s1, s2;
	s1 =	sshrl.u32 s28, $0x1  }
0x8: {  	[dreg:$0x16] =	wrdreg s0;
	s26 =	smul.u32 $0xD3600, s5;
	s0 =	ssub.s32 s28, s1  }
0x9: {  	[dreg:$0x15] =	wrdreg s5;
	s5 =	smul.u32 $0xD7600, s5;
	s0 =	smax.u32 s0, $0x1  }
0xa: {  	s2 =	sadd.s32 s25, s26;
	[dreg:$0x1b] =	wrdreg s0  }
0xb: {  	s29 =	sadd.s32 s4, s5;
	[dreg:$0x17] =	wrdreg s2;
	s2 =	sshrl.u32 s2, $0x3  }
0xc: {  	[dreg:$0x18] =	wrdreg s29;
	s30 =	sadd.s32 $0xD2000, s29;
	s31 =	sadd.s32 s6, s2  }
0xd: {  	[dreg:$0x19] =	wrdreg s30;
	s1 =	sadd.s32 $0x1A400, s31  }
0xe: {  	s2 =	simm.s32 $0x0;
	[dreg:$0x1a] =	wrdreg s1  }
.LBB2_1:
0xf: {  	[dreg:$0x1c] =	wrdreg s2  }
0x10: {  	s0 =	rddreg [dreg:$0x16];
	s16 =	simm.s32 $0x5  }
0x11: {  	[tilespmem:s7], [sflag:$0x5] =	stream.linear.gather [hbm4b:s0+s7], $0x80, $0x38;
	[tilespmem:$0x17D00] =	vst v63  }
0x12: {  	_ =	swait.ge [sflag:s16], $0x80  }
0x13: {  	[sflag:s16] =	ssyncset.done $0x0  }
0x14: {  	s17 =	rddreg [dreg:$0x15];
	[sflag:s16] =	ssyncadd.s32 $0xFFFFFF80  }
0x15: {  	v0 =	vld [tilespmem:s17+$0x0];
	_ =	sdelay $0x4  }
0x16: {  	(v2sf) =	vpush v0, $0x0;
	_ =	sdelay $0xe  }
0x17: {  	s18 =	spop (v2sf)  }
0x18: {  	s1 =	sand.u32 $0x7F, s18  }
0x19: {  	s19 =	sshra.s32 s18, $0x1F;
	p0 =	slt.s32 s18, $0x1;
	p1 =	sne.s32 s1, $0x0  }
0x1a: {  	s20 =	sshrl.u32 s19, $0x19;
	p0 =	por !p0, !p1  }
0x1b: {  	s2 =	simm.s32 $0x1;
	s1 =	sadd.s32 s20, s18;
	p0 =	por !p0, !p0  }
0x1c: {  	s1 =	sshra.s32 s1, $0x7;
	s2 =	simm.s32 @!p0 $0x0  }
0x1d: {  	s3 =	simm.s32 $0x1;
	s1 =	ssub.s32 s1, s2  }
0x1e: {  	s26 =	simm.s32 $0x2B00;
	s24 =	rddreg [dreg:$0x18];
	s6 =	sshll.u32 s1, $0x7  }
0x1f: {  	s25 =	rddreg [dreg:$0x0];
	s21 =	ssub.s32 s18, s6;
	p0 =	sne.s32 s18, s6  }
0x20: {  	s5 =	sand.u32 $0xF, s18;
	s4 =	sshra.s32 s21, $0x1F;
	s3 =	simm.s32 @!p0 $0x0  }
0x21: {  	p6 =	sne.s32 s5, $0x0;
	s22 =	sshll.u32 s1, $0x8;
	s3 =	sor.u32 s3, s4  }
0x22: {  	[smem:$0x7F8] =	sst s22;
	s4 =	sshrl.u32 s4, $0x1C;
	p5 =	sne.s32 s3, $0x1  }
0x23: {  	s2 =	sadd.s32 s4, s21;
	s3 =	simm.s32 $0x1;
	p0 =	por !p6, !p5  }
0x24: {  	s23 =	sshra.s32 s2, $0x4;
	s2 =	sadd.s32 s24, s22;
	p0 =	por !p0, !p0  }
0x25: {  	[smem:$0x7FB] =	sst s6;
	s2 =	sshrl.u32 s2, $0x3;
	s3 =	simm.s32 @!p0 $0x0  }
0x26: {  	s31 =	sadd.s32 $0x5400, s6;
	s2 =	sadd.s32 s25, s2;
	s1 =	ssub.s32 s23, s3  }
0x27: {  	[tilespmem:s26], [sflag:$0x1] =	stream.linear.gather [hbm4b:s2+s7], $0x5500, $0x38;
	[tilespmem:$0x17D00] =	vst v63  }
0x28: {  	[smem:$0x7FC] =	sst s31;
	s21 =	sshll.u32 s1, $0x4;
	s1 =	sshll.u32 s1, $0x5  }
0x29: {  	s29 =	sand.u32 $0xFFFFFF00, s1;
	[dreg:$0x4] =	wrdreg s21  }
0x2a: {  	s0 =	ssub.s32 s18, s21;
	s28 =	sand.u32 $0x70, s21;
	[smem:$0x7F9] =	sst s29  }
0x2b: {  	s8 =	sadd.s32 $0x1E0, s1;
	s0 =	ssub.s32 s0, s6;
	[smem:$0x7FD] =	sst s28  }
0x2c: {  	s4 =	sor.u32 s28, s29;
	[dreg:$0x1e] =	wrdreg s8;
	s0 =	sshll.u32 s0, $0x2  }
0x2d: {  	s30 =	sor.u32 $0x2B00, s28;
	[smem:$0x7FA] =	sst s4;
	s0 =	sshra.s32 s0, $0x2  }
0x2e: {  	s2 =	sor.u32 $0x8000, s28;
	[dreg:$0x5] =	wrdreg s30;
	s0 =	sadd.s32 $0x100, s0  }
0x2f: {  	v0 =	vmov s30;
	v1 =	vmov s2;
	s2 =	simm.s32 $0x0;
	[dreg:$0x1d] =	wrdreg s0  }
.LBB2_2:
0x30: {  	s14 =	sld [smem:$0x7FB]  }
0x31: {  	s15 =	rddreg [dreg:$0x18]  }
0x32: {  	s0 =	smul.u32 $0x5400, s2;
	s16 =	rddreg [dreg:$0x0]  }
0x33: {  	s17 =	simm.s32 $0x8000;
	s18 =	simm.s32 $0x1;
	p0 =	seq.s32 s2, $0x0  }
0x34: {  	s19 =	sadd.s32 $0xFFFFFF00, s21;
	s22 =	sand.u32 $0xFFFFFF00, s8;
	s25 =	sadd.s32 $0xFFFFFEC0, s8  }
0x35: {  	s24 =	sadd.s32 $0xFFFFFEE0, s8;
	s3 =	sadd.s32 $0xFFFFFF00, s8;
	s29 =	sadd.s32 $0xFFFFFF40, s8  }
0x36: {  	s30 =	sadd.s32 $0xFFFFFF60, s8;
	s20 =	sadd.s32 $0x1F0, s19;
	s4 =	sadd.s32 $0x110, s19  }
0x37: {  	s5 =	sadd.s32 $0x120, s19;
	s6 =	sadd.s32 $0x130, s19;
	s23 =	sadd.s32 $0x140, s19  }
0x38: {  	s9 =	sadd.s32 $0x150, s19;
	s10 =	sadd.s32 $0x160, s19;
	s11 =	sadd.s32 $0x170, s19  }
0x39: {  	s12 =	sadd.s32 $0x190, s19;
	s13 =	sadd.s32 $0x1A0, s19;
	[smem:$0x7E4] =	sst s0  }
0x3a: {  	s1 =	sadd.s32 $0x2A00, s0;
	s31 =	sand.u32 $0x70, s4;
	s6 =	sand.u32 $0x70, s6  }
0x3b: {  	s9 =	sand.u32 $0x70, s9;
	s10 =	sand.u32 $0x70, s10;
	s0 =	sadd.s32 s14, s1  }
0x3c: {  	s11 =	sand.u32 $0x70, s11;
	s13 =	sand.u32 $0x70, s13;
	s0 =	sshll.u32 s0, $0x1  }
0x3d: {  	[smem:$0x7E5] =	sst s1;
	s14 =	sadd.s32 $0x1B0, s19;
	s0 =	sadd.s32 s15, s0  }
0x3e: {  	s1 =	sadd.s32 $0x1E0, s19;
	s15 =	sadd.s32 $0x1C0, s19;
	s0 =	sshrl.u32 s0, $0x3  }
0x3f: {  	s15 =	sand.u32 $0x70, s15;
	s0 =	sadd.s32 s16, s0;
	s16 =	sadd.s32 $0x1D0, s19  }
0x40: {  	[tilespmem:s17], [sflag:$0x2] =	stream.linear.gather [hbm4b:s0+s7], $0x5500, $0x38;
	[tilespmem:$0x17D00] =	vst v63  }
0x41: {  	s19 =	sadd.s32 $0xFFFFFE80, s8;
	s0 =	simm.s32 @!p0 $0x3;
	s17 =	sadd.s32 $0xFFFFFE40, s8  }
0x42: {  	s7 =	sand.u32 $0x70, s23;
	s16 =	sand.u32 $0x70, s16;
	_ =	swait.ge [sflag:s18], $0x5500  }
0x43: {  	s26 =	sand.u32 $0xFFFFFF00, s19;
	s23 =	sand.u32 $0xFFFFFF00, s29;
	[sflag:s18] =	ssyncset.done $0x0  }
0x44: {  	s4 =	sand.u32 $0xFFFFFF00, s17;
	[smem:$0x7E6] =	sst s2;
	[sflag:s18] =	ssyncadd.s32 $0xFFFFAB00  }
0x45: {  	s17 =	sand.u32 $0x70, s1;
	s1 =	sadd.s32 $0xFFFFFF80, s8;
	_ =	swait.ge @!p0 [sflag:s0], $0x5400  }
0x46: {  	s6 =	sor.u32 s6, s26;
	[dreg:$0x1f] =	wrdreg s22;
	[sflag:s0] =	ssyncset.done @!p0 $0x0  }
0x47: {  	[smem:$0x7E8] =	sst s31;
	[sflag:s0] =	ssyncadd.s32 @!p0 $0xFFFFAC00;
	s0 =	sand.u32 $0x70, s20  }
0x48: {  	s18 =	sadd.s32 $0xFFFFFE60, s8;
	[smem:$0x7E7] =	sst s4;
	s0 =	sor.u32 s0, s22  }
0x49: {  	s28 =	sand.u32 $0xFFFFFF00, s18;
	s31 =	sand.u32 $0x70, s5;
	[smem:$0x7EA] =	sst s0  }
0x4a: {  	s2 =	sadd.s32 $0xFFFFFFA0, s8;
	s18 =	sor.u32 s31, s28;
	s31 =	sld [smem:$0x7EA]  }
0x4b: {  	s2 =	sand.u32 $0xFFFFFF00, s2;
	s5 =	sand.u32 $0x70, s12;
	[smem:$0x7E9] =	sst s28  }
0x4c: {  	s12 =	sand.u32 $0x70, s14;
	s20 =	sadd.s32 $0xFFFFFEA0, s8;
	s19 =	sld [smem:$0x7E8]  }
0x4d: {  	s14 =	sand.u32 $0xFFFFFF00, s30;
	s20 =	sand.u32 $0xFFFFFF00, s20;
	v7 =	vld [tilespmem:s31+$0x2B00];
	[smem:$0x7EB] =	sst s26  }
0x4e: {  	s29 =	sor.u32 s5, s23;
	s0 =	sand.u32 $0xFFFFFF00, s25;
	[smem:$0x7EC] =	sst s20  }
0x4f: {  	s25 =	sand.u32 $0xFFFFFF00, s24;
	s4 =	sor.u32 s19, s4;
	[smem:$0x7ED] =	sst s0  }
0x50: {  	s28 =	sor.u32 s13, s14;
	s24 =	sand.u32 $0xFFFFFF00, s3;
	v2 =	vld [tilespmem:s4+$0x2B00];
	[smem:$0x7EE] =	sst s25  }
0x51: {  	s13 =	simm.s32 $0x100;
	s22 =	sand.u32 $0xFFFFFF00, s1;
	[smem:$0x7EF] =	sst s24  }
0x52: {  	s1 =	sadd.s32 $0xFFFFFFE0, s8;
	s3 =	sadd.s32 $0xFFFFFFC0, s8;
	[smem:$0x7F0] =	sst s23  }
0x53: {  	s1 =	sand.u32 $0xFFFFFF00, s1;
	s3 =	sand.u32 $0xFFFFFF00, s3;
	v3 =	vld [tilespmem:s18+$0x2B00];
	[smem:$0x7F1] =	sst s14  }
0x54: {  	s9 =	sor.u32 s9, s0;
	s30 =	sor.u32 s11, s24;
	[smem:$0x7F2] =	sst s22  }
0x55: {  	s19 =	sor.u32 s15, s2;
	s16 =	sor.u32 s16, s3;
	[smem:$0x7F3] =	sst s2  }
0x56: {  	s20 =	sor.u32 s7, s20;
	s0 =	sor.u32 s10, s25;
	v4 =	vld [tilespmem:s6+$0x2B00];
	[smem:$0x7F4] =	sst s3  }
0x57: {  	s7 =	sor.u32 s17, s1;
	s17 =	simm.s32 $0x100;
	[smem:$0x7F5] =	sst s1  }
0x58: {  	s26 =	sor.u32 s12, s22;
	s31 =	sadd.s32 $0xFFFFFE20, s8;
	s25 =	sadd.s32 $0xFFFFFF20, s8;
	v6 =	vld [tilespmem:s20+$0x2B00];
	[tilespmem:s17+$0x70] =	vst v7  }
0x59: {  	s15 =	sand.u32 $0xFFFFFF00, s31;
	s18 =	simm.s32 $0x0;
	v5 =	vld [tilespmem:s9+$0x2B00];
	[smem:$0x7F6] =	sst s31  }
0x5a: {  	s4 =	sand.u32 $0xFFFFFF00, s25;
	[smem:$0x7F7] =	sst s25;
	s25 =	smov.u32 s8  }
.LBB2_3:
0x5b: {  	s5 =	sadd.s32 s18, s21  }
0x5c: {  	s18 =	sadd.s32 $0x100, s18;
	s25 =	sadd.s32 $0x200, s25;
	s22 =	sadd.s32 $0x1F0, s5  }
0x5d: {  	p1 =	slt.u32 s18, $0x2900;
	s6 =	sadd.s32 $0x110, s5;
	s9 =	sand.u32 $0xFFFFFF00, s25  }
0x5e: {  	s10 =	sadd.s32 $0x120, s5;
	s12 =	sadd.s32 $0x130, s5;
	s23 =	sadd.s32 $0x140, s5  }
0x5f: {  	s1 =	sadd.s32 $0x170, s5;
	s3 =	sadd.s32 $0x190, s5;
	s31 =	sadd.s32 $0x1A0, s5  }
0x60: {  	s11 =	sadd.s32 $0x1C0, s5;
	s2 =	sadd.s32 $0x1D0, s5;
	s20 =	sadd.s32 $0xFFFFFE60, s25  }
0x61: {  	s21 =	sadd.s32 $0xFFFFFEA0, s25;
	s14 =	sadd.s32 $0xFFFFFEE0, s25;
	s24 =	sadd.s32 $0xFFFFFF80, s25  }
0x62: {  	s8 =	sadd.s32 $0xFFFFFFE0, s25;
	[dreg:$0x7] =	wrdreg s3;
	s3 =	sadd.s32 $0xFFFFFF00, s25  }
0x63: {  	s6 =	sand.u32 $0x70, s6;
	s10 =	sand.u32 $0x70, s10;
	s12 =	sand.u32 $0x70, s12  }
0x64: {  	s31 =	sand.u32 $0x70, s31;
	s11 =	sand.u32 $0x70, s11;
	s2 =	sand.u32 $0x70, s2;
	[tilespmem:s17+$0xFFFFFF90] =	vst v2;
	v2 =	vld [tilespmem:s0+$0x2B00]  }
0x65: {  	s20 =	sand.u32 $0xFFFFFF00, s20;
	s14 =	sand.u32 $0xFFFFFF00, s14;
	s24 =	sand.u32 $0xFFFFFF00, s24;
	[tilespmem:s17+$0xFFFFFFA0] =	vst v3;
	v3 =	vld [tilespmem:s30+$0x2B00]  }
0x66: {  	s8 =	sand.u32 $0xFFFFFF00, s8;
	[dreg:$0x9] =	wrdreg s2;
	s3 =	sand.u32 $0xFFFFFF00, s3;
	[tilespmem:s17+$0xFFFFFFB0] =	vst v4;
	v4 =	vld [tilespmem:s29+$0x2B00]  }
0x67: {  	s10 =	sor.u32 s10, s20;
	s0 =	sand.u32 $0x70, s22;
	[tilespmem:s17+$0xFFFFFFC0] =	vst v6;
	v6 =	vld [tilespmem:s28+$0x2B00];
	s28 =	sadd.s32 $0x150, s5  }
0x68: {  	s29 =	sadd.s32 $0x160, s5;
	[tilespmem:s17+$0xFFFFFFD0] =	vst v5;
	v5 =	vld [tilespmem:s7+$0x2B00];
	s7 =	sadd.s32 $0xFFFFFEC0, s25;
	s30 =	sadd.s32 $0xFFFFFF60, s25  }
0x69: {  	s22 =	sadd.s32 $0xFFFFFFC0, s25;
	s0 =	sor.u32 s0, s9;
	s9 =	sand.u32 $0x70, s23  }
0x6a: {  	s28 =	sand.u32 $0x70, s28;
	s29 =	sand.u32 $0x70, s29;
	s23 =	sand.u32 $0x70, s1  }
0x6b: {  	s7 =	sand.u32 $0xFFFFFF00, s7;
	s22 =	sand.u32 $0xFFFFFF00, s22;
	v7 =	vld [tilespmem:s0+$0x2B00];
	s0 =	sadd.s32 $0x1E0, s5;
	[tilespmem:s17+$0xFFFFFFE0] =	vst v2  }
0x6c: {  	s1 =	sadd.s32 $0xFFFFFE20, s25;
	s20 =	sor.u32 s28, s7;
	s2 =	sand.u32 $0x70, s0;
	v2 =	vld [tilespmem:s26+$0x2B00];
	[tilespmem:s17+$0xFFFFFFF0] =	vst v3  }
0x6d: {  	s7 =	sor.u32 s2, s8;
	s26 =	sadd.s32 $0x1B0, s5;
	v3 =	vld [tilespmem:s19+$0x2B00];
	s19 =	sadd.s32 $0xFFFFFE40, s25;
	[tilespmem:s17+$0x10] =	vst v4  }
0x6e: {  	v4 =	vld [tilespmem:s16+$0x2B00];
	s16 =	sadd.s32 $0xFFFFFE80, s25;
	[tilespmem:s13+$0x20] =	vst v6;
	s17 =	sadd.s32 $0x100, s17;
	s5 =	rddreg [dreg:$0x7]  }
0x6f: {  	v6 =	vld.idx.msk [tilespmem:v0+s15+$0x0 ss:$0x1], $0xffff;
	s15 =	sadd.s32 $0xFFFFFF40, s25;
	[tilespmem:s13+$0x60] =	vst v5;
	s5 =	sand.u32 $0x70, s5;
	s26 =	sand.u32 $0x70, s26  }
0x70: {  	s19 =	sand.u32 $0xFFFFFF00, s19;
	s0 =	sand.u32 $0xFFFFFF00, s16;
	s15 =	sand.u32 $0xFFFFFF00, s15;
	[tilespmem:s17+$0x70] =	vst v7;
	v7 =	vld.idx.msk [tilespmem:v0+s4+$0x0 ss:$0x1], $0xffff  }
0x71: {  	s16 =	sand.u32 $0xFFFFFF00, s30;
	s30 =	sor.u32 s23, s3;
	s4 =	sadd.s32 $0xFFFFFFA0, s25;
	[tilespmem:s13+$0x30] =	vst v2  }
0x72: {  	s6 =	sor.u32 s6, s19;
	s19 =	sor.u32 s12, s0;
	s0 =	sor.u32 s29, s14;
	[tilespmem:s13+$0x40] =	vst v3  }
.Ltmp0:
0x73: {  	v5 =	vld [tilespmem:s20+$0x2B00];
	s29 =	sor.u32 s5, s15;
	s28 =	sor.u32 s31, s16;
	[tilespmem:s13+$0x50] =	vst v4;
	(pc) =	sbr.rel @p1 .LBB2_3-.Ltmp0, $4  }
0x74: {  	s26 =	sor.u32 s26, s24;
	s15 =	sand.u32 $0xFFFFFF00, s1;
	s31 =	rddreg [dreg:$0x9];
	[tilespmem:s13+$0xFFFFFF80] =	vst v6;
	v2 =	vld [tilespmem:s6+$0x2B00]  }
0x75: {  	s4 =	sand.u32 $0xFFFFFF00, s4;
	s16 =	sor.u32 s31, s22;
	v3 =	vld [tilespmem:s10+$0x2B00];
	[tilespmem:s13+$0x0] =	vst v7;
	s13 =	sand.u32 $0xFFFFFF00, s21  }
0x76: {  	v4 =	vld [tilespmem:s19+$0x2B00];
	s19 =	sor.u32 s11, s4;
	s21 =	sadd.s32 $0xFFFFFF20, s25;
	s9 =	sor.u32 s9, s13  }
0x77: {  	s4 =	sand.u32 $0xFFFFFF00, s21;
	s21 =	rddreg [dreg:$0x4];
	s13 =	smov.u32 s17;
	v6 =	vld [tilespmem:s9+$0x2B00]  }
0x78: {  	[tilespmem:s17+$0xFFFFFFD0] =	vst v5;
	v5 =	vld [tilespmem:s26+$0x2B00]  }
0x79: {  	[tilespmem:s17+$0xFFFFFF90] =	vst v2;
	v2 =	vld [tilespmem:s0+$0x2B00]  }
0x7a: {  	[tilespmem:s17+$0xFFFFFFA0] =	vst v3;
	v3 =	vld [tilespmem:s30+$0x2B00]  }
0x7b: {  	[tilespmem:s17+$0xFFFFFFB0] =	vst v4;
	v4 =	vld [tilespmem:s29+$0x2B00]  }
0x7c: {  	[tilespmem:s17+$0xFFFFFFC0] =	vst v6;
	v6 =	vld [tilespmem:s28+$0x2B00]  }
0x7d: {  	v7 =	vld.idx.msk [tilespmem:v0+s4+$0x0 ss:$0x1], $0xffff;
	[tilespmem:s13+$0x30] =	vst v5  }
0x7e: {  	[tilespmem:s17+$0xFFFFFFE0] =	vst v2;
	v2 =	vld [tilespmem:s19+$0x2B00]  }
0x7f: {  	[tilespmem:s17+$0xFFFFFFF0] =	vst v3;
	v3 =	vld [tilespmem:s16+$0x2B00]  }
0x80: {  	[tilespmem:s17+$0x10] =	vst v4;
	v4 =	vld [tilespmem:s7+$0x2B00]  }
0x81: {  	[tilespmem:s13+$0x20] =	vst v6;
	v6 =	vld.idx.msk [tilespmem:v0+s15+$0x0 ss:$0x1], $0xffff  }
0x82: {  	[tilespmem:s13+$0x0] =	vst v7  }
0x83: {  	[tilespmem:s13+$0x40] =	vst v2  }
0x84: {  	[tilespmem:s13+$0x50] =	vst v3  }
0x85: {  	[tilespmem:s13+$0x60] =	vst v4  }
0x86: {  	[tilespmem:s13+$0xFFFFFF80] =	vst v6  }
0x87: {  	s30 =	sld [smem:$0x7FA];
	_ =	sdelay $0x2  }
0x88: {  	v2 =	vld [tilespmem:s30+$0x7F00];
	_ =	sdelay $0x4  }
0x89: {  	s31 =	rddreg [dreg:$0x1d];
	[tilespmem:$0x2A80] =	vst v2  }
0x8a: {  	v2 =	vld [tilespmem:s31+$0x70]  }
0x8b: {  	v3 =	vld [tilespmem:s31+$0xFFFFFF90]  }
0x8c: {  	v4 =	vld [tilespmem:s31+$0xFFFFFFA0]  }
0x8d: {  	v5 =	vld [tilespmem:s31+$0xFFFFFFB0]  }
0x8e: {  	s13 =	simm.s32 $0xD600;
	v6 =	vld [tilespmem:s31+$0xFFFFFFC0]  }
0x8f: {  	v7 =	vld [tilespmem:s31+$0xFFFFFFD0];
	[tilespmem:s13+$0x70] =	vst v2  }
0x90: {  	v8 =	vld [tilespmem:s31+$0x10];
	[tilespmem:s13+$0xFFFFFF10] =	vst v3  }
0x91: {  	v2 =	vld [tilespmem:s31+$0xFFFFFFE0];
	[tilespmem:s13+$0xFFFFFF20] =	vst v4  }
0x92: {  	[tilespmem:s13+$0xFFFFFF30] =	vst v5;
	v4 =	vld [tilespmem:s31+$0x0]  }
0x93: {  	v3 =	vld [tilespmem:s31+$0xFFFFFFF0];
	[tilespmem:s13+$0xFFFFFF40] =	vst v6  }
0x94: {  	[tilespmem:s13+$0xFFFFFF50] =	vst v7;
	v7 =	vld [tilespmem:s31+$0x20]  }
0x95: {  	v6 =	vld [tilespmem:s31+$0x30];
	[tilespmem:s13+$0x10] =	vst v8  }
0x96: {  	v5 =	vld [tilespmem:s31+$0x40];
	[tilespmem:s13+$0xFFFFFF60] =	vst v2  }
0x97: {  	[tilespmem:s13+$0x0] =	vst v4;
	v4 =	vld [tilespmem:s31+$0x50]  }
0x98: {  	[tilespmem:s13+$0xFFFFFF70] =	vst v3;
	v3 =	vld [tilespmem:s31+$0x60]  }
0x99: {  	s4 =	simm.s32 $0x0;
	s7 =	sadd.s32 $0x100, s31;
	v2 =	vld [tilespmem:s31+$0xFFFFFF80];
	[tilespmem:s13+$0x20] =	vst v7  }
.LBB2_5:
0x9a: {  	v7 =	vld [tilespmem:s7+$0x70];
	s4 =	sadd.s32 $0x100, s4;
	[tilespmem:s13+$0x30] =	vst v6  }
0x9b: {  	v6 =	vld [tilespmem:s7+$0xFFFFFF90];
	p1 =	slt.u32 s4, $0x2900;
	[tilespmem:s13+$0x40] =	vst v5  }
0x9c: {  	v5 =	vld [tilespmem:s7+$0xFFFFFFA0];
	[tilespmem:s13+$0x50] =	vst v4  }
0x9d: {  	v4 =	vld [tilespmem:s7+$0xFFFFFFB0];
	[tilespmem:s13+$0x60] =	vst v3  }
0x9e: {  	v3 =	vld [tilespmem:s7+$0xFFFFFFC0];
	[tilespmem:s13+$0xFFFFFF00] =	vst v2;
	s13 =	sadd.s32 $0x200, s13  }
0x9f: {  	s18 =	simm.s32 $0x100;
	v2 =	vld [tilespmem:s7+$0xFFFFFFD0];
	[tilespmem:s13+$0x70] =	vst v7  }
0xa0: {  	[tilespmem:s13+$0xFFFFFF10] =	vst v6;
	v6 =	vld [tilespmem:s7+$0xFFFFFFE0]  }
0xa1: {  	[tilespmem:s13+$0xFFFFFF20] =	vst v5;
	v5 =	vld [tilespmem:s7+$0xFFFFFFF0]  }
0xa2: {  	[tilespmem:s13+$0xFFFFFF30] =	vst v4;
	v4 =	vld [tilespmem:s7+$0x0]  }
0xa3: {  	[tilespmem:s13+$0xFFFFFF40] =	vst v3;
	v3 =	vld [tilespmem:s7+$0x10]  }
0xa4: {  	[tilespmem:s13+$0xFFFFFF50] =	vst v2;
	v7 =	vld [tilespmem:s7+$0x20]  }
.Ltmp1:
0xa5: {  	[tilespmem:s13+$0xFFFFFF60] =	vst v6;
	v6 =	vld [tilespmem:s7+$0x30];
	(pc) =	sbr.rel @p1 .LBB2_5-.Ltmp1, $4  }
0xa6: {  	[tilespmem:s13+$0xFFFFFF70] =	vst v5;
	v5 =	vld [tilespmem:s7+$0x40]  }
0xa7: {  	[tilespmem:s13+$0x0] =	vst v4;
	v4 =	vld [tilespmem:s7+$0x50]  }
0xa8: {  	[tilespmem:s13+$0x10] =	vst v3;
	v3 =	vld [tilespmem:s7+$0x60]  }
0xa9: {  	v2 =	vld [tilespmem:s7+$0xFFFFFF80];
	[tilespmem:s13+$0x20] =	vst v7;
	s7 =	sadd.s32 $0x100, s7  }
0xaa: {  	s0 =	sadd.s32 $0xFFFFFF00, s21;
	s5 =	rddreg [dreg:$0x1f];
	[tilespmem:s13+$0x30] =	vst v6  }
0xab: {  	s1 =	sadd.s32 $0x1F0, s0;
	[tilespmem:s13+$0x40] =	vst v5  }
0xac: {  	s2 =	sadd.s32 $0x110, s0;
	s3 =	sadd.s32 $0x120, s0;
	s4 =	sadd.s32 $0x130, s0;
	[tilespmem:s13+$0x50] =	vst v4  }
0xad: {  	s24 =	sadd.s32 $0x140, s0;
	s6 =	sadd.s32 $0x150, s0;
	s7 =	sadd.s32 $0x160, s0;
	[tilespmem:s13+$0x60] =	vst v3  }
0xae: {  	s8 =	sadd.s32 $0x170, s0;
	s9 =	sadd.s32 $0x190, s0;
	s10 =	sadd.s32 $0x1A0, s0;
	[tilespmem:s13+$0xFFFFFF00] =	vst v2  }
0xaf: {  	s15 =	sadd.s32 $0x1B0, s0;
	s14 =	sadd.s32 $0x1D0, s0;
	s31 =	sld [smem:$0x7E7]  }
0xb0: {  	s12 =	sadd.s32 $0x1C0, s0;
	s25 =	sand.u32 $0x70, s14;
	s14 =	sld [smem:$0x7EE]  }
0xb1: {  	s0 =	sadd.s32 $0x1E0, s0;
	s2 =	sand.u32 $0x70, s2;
	s16 =	sld [smem:$0x7EF]  }
0xb2: {  	s13 =	sand.u32 $0x70, s0;
	s0 =	sor.u32 s2, s31;
	s2 =	sld [smem:$0x7E9]  }
0xb3: {  	s17 =	sld [smem:$0x7F0]  }
0xb4: {  	s1 =	sand.u32 $0x70, s1;
	s3 =	sand.u32 $0x70, s3;
	s19 =	sld [smem:$0x7F1]  }
0xb5: {  	s1 =	sor.u32 s1, s5;
	v2 =	vld [tilespmem:s0+$0x2B80];
	s0 =	sor.u32 s3, s2;
	s3 =	sld [smem:$0x7EB]  }
0xb6: {  	s11 =	simm.s32 $0x0;
	s4 =	sand.u32 $0x70, s4;
	v5 =	vld [tilespmem:s1+$0x2B80];
	s20 =	sld [smem:$0x7F2]  }
0xb7: {  	s6 =	sand.u32 $0x70, s6;
	s7 =	sand.u32 $0x70, s7;
	s22 =	sld [smem:$0x7F3]  }
0xb8: {  	s8 =	sand.u32 $0x70, s8;
	s2 =	sor.u32 s4, s3;
	s4 =	sld [smem:$0x7EC]  }
0xb9: {  	s9 =	sand.u32 $0x70, s9;
	s5 =	sand.u32 $0x70, s24;
	s24 =	sld [smem:$0x7F4]  }
0xba: {  	s10 =	sand.u32 $0x70, s10;
	s15 =	sand.u32 $0x70, s15;
	s23 =	sld [smem:$0x7F6]  }
0xbb: {  	s12 =	sand.u32 $0x70, s12;
	s3 =	sor.u32 s5, s4;
	s5 =	sld [smem:$0x7ED];
	[tilespmem:s18+$0x70] =	vst v5  }
0xbc: {  	v3 =	vld [tilespmem:s0+$0x2B80];
	s0 =	sor.u32 s8, s16;
	s16 =	sor.u32 s25, s24;
	s25 =	sld [smem:$0x7F5]  }
0xbd: {  	s30 =	sor.u32 s7, s14;
	s29 =	sor.u32 s9, s17;
	s31 =	sld [smem:$0x7F7]  }
0xbe: {  	s28 =	sor.u32 s10, s19;
	s26 =	sor.u32 s15, s20;
	s19 =	sor.u32 s12, s22;
	v4 =	vld [tilespmem:s2+$0x2B80]  }
0xbf: {  	s15 =	sand.u32 $0xFFFFFF00, s23;
	v6 =	vld [tilespmem:s3+$0x2B80];
	s4 =	sor.u32 s6, s5;
	s7 =	sor.u32 s13, s25  }
0xc0: {  	v5 =	vld [tilespmem:s4+$0x2B80];
	s4 =	sand.u32 $0xFFFFFF00, s31;
	s25 =	rddreg [dreg:$0x1e];
	s13 =	simm.s32 $0x100  }
.LBB2_7:
0xc1: {  	s1 =	sadd.s32 s11, s21;
	s11 =	sadd.s32 $0x100, s11;
	s25 =	sadd.s32 $0x200, s25  }
0xc2: {  	s2 =	sadd.s32 $0x1F0, s1;
	p1 =	slt.u32 s11, $0x2900;
	s20 =	sadd.s32 $0x110, s1  }
0xc3: {  	s3 =	sand.u32 $0xFFFFFF00, s25;
	s5 =	sadd.s32 $0x120, s1;
	s6 =	sadd.s32 $0x130, s1  }
0xc4: {  	s8 =	sadd.s32 $0x150, s1;
	s9 =	sadd.s32 $0x160, s1;
	s10 =	sadd.s32 $0x190, s1  }
0xc5: {  	s17 =	sadd.s32 $0x1A0, s1;
	s12 =	sadd.s32 $0x1B0, s1;
	s14 =	sadd.s32 $0x1C0, s1  }
0xc6: {  	s31 =	sadd.s32 $0x1D0, s1;
	s21 =	sadd.s32 $0xFFFFFE60, s25;
	s22 =	sadd.s32 $0xFFFFFEA0, s25  }
0xc7: {  	s23 =	sadd.s32 $0xFFFFFEE0, s25;
	s24 =	sadd.s32 $0xFFFFFF00, s25;
	s2 =	sand.u32 $0x70, s2  }
0xc8: {  	[tilespmem:s18+$0xFFFFFF90] =	vst v2;
	v2 =	vld [tilespmem:s30+$0x2B80];
	s30 =	sadd.s32 $0xFFFFFFE0, s25;
	s5 =	sand.u32 $0x70, s5;
	s8 =	sand.u32 $0x70, s8  }
0xc9: {  	s9 =	sand.u32 $0x70, s9;
	s10 =	sand.u32 $0x70, s10;
	s12 =	sand.u32 $0x70, s12;
	[tilespmem:s18+$0xFFFFFFA0] =	vst v3;
	v3 =	vld [tilespmem:s0+$0x2B80]  }
0xca: {  	s14 =	sand.u32 $0x70, s14;
	s21 =	sand.u32 $0xFFFFFF00, s21;
	s2 =	sor.u32 s2, s3;
	[tilespmem:s18+$0xFFFFFFB0] =	vst v4;
	v4 =	vld [tilespmem:s29+$0x2B80]  }
0xcb: {  	s3 =	sadd.s32 $0x140, s1;
	[dreg:$0xe] =	wrdreg s9;
	s5 =	sor.u32 s5, s21;
	[tilespmem:s18+$0xFFFFFFC0] =	vst v6;
	v6 =	vld [tilespmem:s28+$0x2B80]  }
0xcc: {  	s21 =	rddreg [dreg:$0x4];
	v7 =	vld [tilespmem:s2+$0x2B80];
	s2 =	sadd.s32 $0x170, s1;
	s1 =	sadd.s32 $0x1E0, s1  }
0xcd: {  	[tilespmem:s18+$0xFFFFFFD0] =	vst v5;
	v5 =	vld [tilespmem:s7+$0x2B80];
	s7 =	sadd.s32 $0xFFFFFEC0, s25;
	s28 =	sadd.s32 $0xFFFFFF80, s25;
	s29 =	sadd.s32 $0xFFFFFFC0, s25  }
0xce: {  	s0 =	sand.u32 $0x70, s20;
	s20 =	sand.u32 $0x70, s6;
	s6 =	sand.u32 $0x70, s17;
	[tilespmem:s18+$0xFFFFFFE0] =	vst v2  }
0xcf: {  	s3 =	sand.u32 $0x70, s3;
	s17 =	sand.u32 $0x70, s31;
	[dreg:$0xf] =	wrdreg s6;
	v2 =	vld [tilespmem:s26+$0x2B80];
	[tilespmem:s18+$0xFFFFFFF0] =	vst v3  }
0xd0: {  	s9 =	sand.u32 $0x70, s2;
	[dreg:$0xa] =	wrdreg s17;
	s6 =	sand.u32 $0x70, s1;
	v3 =	vld [tilespmem:s19+$0x2B80];
	[tilespmem:s18+$0x10] =	vst v4  }
0xd1: {  	s7 =	sand.u32 $0xFFFFFF00, s7;
	s31 =	sand.u32 $0xFFFFFF00, s28;
	s1 =	sand.u32 $0xFFFFFF00, s29;
	v4 =	vld [tilespmem:s16+$0x2B80];
	[tilespmem:s13+$0x20] =	vst v6  }
0xd2: {  	s2 =	sand.u32 $0xFFFFFF00, s30;
	s17 =	sadd.s32 $0xFFFFFE20, s25;
	s18 =	sadd.s32 $0x100, s18;
	v6 =	vld.idx.msk [tilespmem:v0+s15+$0x80 ss:$0x1], $0xffff;
	[tilespmem:s13+$0x60] =	vst v5  }
0xd3: {  	s8 =	sor.u32 s8, s7;
	s7 =	sor.u32 s6, s2;
	s26 =	sadd.s32 $0xFFFFFF60, s25;
	[tilespmem:s18+$0x70] =	vst v7;
	v7 =	vld.idx.msk [tilespmem:v0+s4+$0x80 ss:$0x1], $0xffff  }
0xd4: {  	s26 =	sand.u32 $0xFFFFFF00, s26;
	s19 =	sadd.s32 $0xFFFFFE40, s25;
	s16 =	sadd.s32 $0xFFFFFE80, s25;
	[tilespmem:s13+$0x30] =	vst v2  }
0xd5: {  	s15 =	sadd.s32 $0xFFFFFF40, s25;
	s4 =	sadd.s32 $0xFFFFFFA0, s25;
	s19 =	sand.u32 $0xFFFFFF00, s19;
	[tilespmem:s13+$0x40] =	vst v3  }
0xd6: {  	s15 =	sand.u32 $0xFFFFFF00, s15;
	s4 =	sand.u32 $0xFFFFFF00, s4;
	s0 =	sor.u32 s0, s19;
	[tilespmem:s13+$0x50] =	vst v4  }
0xd7: {  	s29 =	sor.u32 s10, s15;
	s15 =	sand.u32 $0xFFFFFF00, s17;
	s19 =	sor.u32 s14, s4;
	[tilespmem:s13+$0xFFFFFF80] =	vst v6  }
0xd8: {  	[tilespmem:s13+$0x0] =	vst v7;
	s13 =	sand.u32 $0xFFFFFF00, s16;
	s16 =	sand.u32 $0xFFFFFF00, s22;
	s22 =	sand.u32 $0xFFFFFF00, s23  }
.Ltmp2:
0xd9: {  	v5 =	vld [tilespmem:s8+$0x2B80];
	s23 =	sand.u32 $0xFFFFFF00, s24;
	s24 =	sadd.s32 $0xFFFFFF20, s25;
	(pc) =	sbr.rel @p1 .LBB2_7-.Ltmp2, $4  }
0xda: {  	v2 =	vld [tilespmem:s0+$0x2B80];
	s13 =	sor.u32 s20, s13;
	s3 =	sor.u32 s3, s16;
	s20 =	rddreg [dreg:$0xe]  }
0xdb: {  	v3 =	vld [tilespmem:s5+$0x2B80];
	s0 =	sor.u32 s9, s23;
	s23 =	rddreg [dreg:$0xf];
	s4 =	sand.u32 $0xFFFFFF00, s24  }
0xdc: {  	v4 =	vld [tilespmem:s13+$0x2B80];
	s28 =	sor.u32 s23, s26;
	s26 =	sor.u32 s12, s31;
	s31 =	rddreg [dreg:$0xa]  }
0xdd: {  	s30 =	sor.u32 s20, s22;
	v6 =	vld [tilespmem:s3+$0x2B80];
	s13 =	smov.u32 s18;
	s16 =	sor.u32 s31, s1  }
0xde: {  	[tilespmem:s18+$0xFFFFFFD0] =	vst v5;
	v5 =	vld [tilespmem:s26+$0x2B80]  }
0xdf: {  	[tilespmem:s18+$0xFFFFFF90] =	vst v2;
	v2 =	vld [tilespmem:s30+$0x2B80]  }
0xe0: {  	[tilespmem:s18+$0xFFFFFFA0] =	vst v3;
	v3 =	vld [tilespmem:s0+$0x2B80]  }
0xe1: {  	[tilespmem:s18+$0xFFFFFFB0] =	vst v4;
	v4 =	vld [tilespmem:s29+$0x2B80]  }
0xe2: {  	[tilespmem:s18+$0xFFFFFFC0] =	vst v6;
	v6 =	vld [tilespmem:s28+$0x2B80]  }
0xe3: {  	v7 =	vld.idx.msk [tilespmem:v0+s4+$0x80 ss:$0x1], $0xffff;
	[tilespmem:s13+$0x30] =	vst v5  }
0xe4: {  	[tilespmem:s18+$0xFFFFFFE0] =	vst v2;
	v2 =	vld [tilespmem:s19+$0x2B80]  }
0xe5: {  	[tilespmem:s18+$0xFFFFFFF0] =	vst v3;
	v3 =	vld [tilespmem:s16+$0x2B80]  }
0xe6: {  	[tilespmem:s18+$0x10] =	vst v4;
	v4 =	vld [tilespmem:s7+$0x2B80]  }
0xe7: {  	[tilespmem:s13+$0x20] =	vst v6;
	v6 =	vld.idx.msk [tilespmem:v0+s15+$0x80 ss:$0x1], $0xffff  }
0xe8: {  	[tilespmem:s13+$0x0] =	vst v7  }
0xe9: {  	[tilespmem:s13+$0x40] =	vst v2  }
0xea: {  	[tilespmem:s13+$0x50] =	vst v3  }
0xeb: {  	[tilespmem:s13+$0x60] =	vst v4  }
0xec: {  	[tilespmem:s13+$0xFFFFFF80] =	vst v6  }
0xed: {  	s29 =	sld [smem:$0x7FA];
	_ =	sdelay $0x2  }
0xee: {  	v2 =	vld [tilespmem:s29+$0x7F80];
	_ =	sdelay $0x4  }
0xef: {  	s1 =	rddreg [dreg:$0x1d];
	[tilespmem:$0x2A80] =	vst v2  }
0xf0: {  	v2 =	vld [tilespmem:s1+$0x70]  }
0xf1: {  	v3 =	vld [tilespmem:s1+$0xFFFFFF90]  }
0xf2: {  	v4 =	vld [tilespmem:s1+$0xFFFFFFA0]  }
0xf3: {  	s4 =	simm.s32 $0x1E0;
	v5 =	vld [tilespmem:s1+$0xFFFFFFB0]  }
0xf4: {  	s30 =	sor.u32 $0x70, s4;
	v6 =	vld [tilespmem:s1+$0xFFFFFFC0]  }
0xf5: {  	s13 =	simm.s32 $0xD5F0;
	v7 =	vld [tilespmem:s1+$0xFFFFFFD0];
	[tilespmem:s30+$0xD500] =	vst v2  }
0xf6: {  	[tilespmem:s13+$0xFFFFFFA0] =	vst v3;
	v2 =	vld [tilespmem:s1+$0xFFFFFFE0]  }
0xf7: {  	[tilespmem:s13+$0xFFFFFFB0] =	vst v4;
	v3 =	vld [tilespmem:s1+$0xFFFFFFF0]  }
0xf8: {  	[tilespmem:s13+$0xFFFFFFC0] =	vst v5;
	v5 =	vld [tilespmem:s1+$0x0]  }
0xf9: {  	[tilespmem:s13+$0xFFFFFFD0] =	vst v6;
	v6 =	vld [tilespmem:s1+$0x10]  }
0xfa: {  	[tilespmem:s13+$0xFFFFFFE0] =	vst v7;
	v7 =	vld [tilespmem:s1+$0x20]  }
0xfb: {  	v4 =	vld [tilespmem:s1+$0x30];
	[tilespmem:s13+$0xFFFFFFF0] =	vst v2  }
0xfc: {  	[tilespmem:s13+$0x0] =	vst v3;
	v3 =	vld [tilespmem:s1+$0x40]  }
0xfd: {  	[tilespmem:s13+$0x90] =	vst v5;
	v5 =	vld [tilespmem:s1+$0x50]  }
0xfe: {  	s31 =	simm.s32 $0x1C0;
	[tilespmem:s13+$0xA0] =	vst v6;
	v6 =	vld [tilespmem:s1+$0x60]  }
0xff: {  	s7 =	simm.s32 $0x0;
	s15 =	sor.u32 $0x60, s31;
	s16 =	sadd.s32 $0x100, s1;
	v2 =	vld [tilespmem:s1+$0xFFFFFF80];
	[tilespmem:s13+$0xB0] =	vst v7  }
.LBB2_9:
0x100: {  	v7 =	vld [tilespmem:s16+$0x70];
	s7 =	sadd.s32 $0x100, s7;
	[tilespmem:s13+$0xC0] =	vst v4  }
0x101: {  	v4 =	vld [tilespmem:s16+$0xFFFFFF90];
	p1 =	slt.u32 s7, $0x2900;
	[tilespmem:s13+$0xD0] =	vst v3  }
0x102: {  	v3 =	vld [tilespmem:s16+$0xFFFFFFA0];
	[tilespmem:s13+$0xE0] =	vst v5  }
0x103: {  	s4 =	sadd.s32 $0x200, s4;
	v5 =	vld [tilespmem:s16+$0xFFFFFFB0];
	[tilespmem:s15+$0xD500] =	vst v6  }
0x104: {  	s0 =	sadd.s32 $0xFFFFFFE0, s4;
	s1 =	sor.u32 $0x70, s4;
	v6 =	vld [tilespmem:s16+$0xFFFFFFC0];
	[tilespmem:s13+$0xFFFFFF90] =	vst v2  }
0x105: {  	s15 =	sor.u32 $0x60, s0;
	s13 =	sadd.s32 $0x200, s13;
	v2 =	vld [tilespmem:s16+$0xFFFFFFD0];
	[tilespmem:s1+$0xD500] =	vst v7  }
0x106: {  	[tilespmem:s13+$0xFFFFFFA0] =	vst v4;
	v4 =	vld [tilespmem:s16+$0xFFFFFFE0]  }
0x107: {  	[tilespmem:s13+$0xFFFFFFB0] =	vst v3;
	v3 =	vld [tilespmem:s16+$0xFFFFFFF0]  }
0x108: {  	[tilespmem:s13+$0xFFFFFFC0] =	vst v5;
	v5 =	vld [tilespmem:s16+$0x0]  }
0x109: {  	[tilespmem:s13+$0xFFFFFFD0] =	vst v6;
	v6 =	vld [tilespmem:s16+$0x10]  }
0x10a: {  	[tilespmem:s13+$0xFFFFFFE0] =	vst v2;
	v7 =	vld [tilespmem:s16+$0x20]  }
.Ltmp3:
0x10b: {  	[tilespmem:s13+$0xFFFFFFF0] =	vst v4;
	v4 =	vld [tilespmem:s16+$0x30];
	(pc) =	sbr.rel @p1 .LBB2_9-.Ltmp3, $4  }
0x10c: {  	[tilespmem:s13+$0x0] =	vst v3;
	v3 =	vld [tilespmem:s16+$0x40]  }
0x10d: {  	[tilespmem:s13+$0x90] =	vst v5;
	v5 =	vld [tilespmem:s16+$0x50]  }
0x10e: {  	[tilespmem:s13+$0xA0] =	vst v6;
	v6 =	vld [tilespmem:s16+$0x60]  }
0x10f: {  	v2 =	vld [tilespmem:s16+$0xFFFFFF80];
	[tilespmem:s13+$0xB0] =	vst v7;
	s16 =	sadd.s32 $0x100, s16  }
0x110: {  	[tilespmem:s13+$0xC0] =	vst v4  }
0x111: {  	s3 =	sld [smem:$0x7E6];
	_ =	sdelay $0x1  }
0x112: {  	[tilespmem:s13+$0xD0] =	vst v3  }
0x113: {  	[tilespmem:s13+$0xE0] =	vst v5;
	s0 =	smul.u32 $0xA800, s3;
	p1 =	sne.s32 s3, $0x13  }
.Ltmp4:
0x114: {  	s1 =	rddreg [dreg:$0x17];
	(pc) =	sbr.rel @p1 .LBB2_12-.Ltmp4, $4  }
0x115: {  	s0 =	sadd.s32 s1, s0  }
0x116: {  	s30 =	rddreg [dreg:$0x2];
	[tilespmem:s15+$0xD500] =	vst v6;
	s0 =	sshrl.u32 s0, $0x3  }
0x117: {  	s2 =	simm.s32 $0x0;
	s31 =	simm.s32 $0xD500;
	[tilespmem:s13+$0xFFFFFF90] =	vst v2;
	s0 =	sadd.s32 s30, s0  }
0x118: {  	[hbm4b:s0+s2] =	stream.linear.scatter [tilespmem:s31], [sflag:$0x3], $0x5400, $0x38;
	[tilespmem:$0x17D00] =	vst v63  }
.Ltmp5:
0x119: {  	(pc) =	sbr.rel .LBB2_13-.Ltmp5, $4  }
0x11a: {  	s0 =	simm.s32 $0x2  }
0x11b: {  	_ =	swait.ge [sflag:s0], $0x5500  }
0x11c: {  	[sflag:s0] =	ssyncset.done $0x0  }
0x11d: {  	[sflag:s0] =	ssyncadd.s32 $0xFFFFAB00  }
.LBB2_12:
0x11e: {  	s0 =	sld [smem:$0x7FC]  }
0x11f: {  	s1 =	sld [smem:$0x7E4];
	_ =	sdelay $0x2  }
0x120: {  	s0 =	sadd.s32 s1, s0  }
0x121: {  	s28 =	rddreg [dreg:$0x18];
	s0 =	sshll.u32 s0, $0x1  }
0x122: {  	s0 =	sadd.s32 s28, s0  }
0x123: {  	s29 =	rddreg [dreg:$0x0];
	s30 =	simm.s32 $0x2B00;
	s0 =	sshrl.u32 s0, $0x3  }
.Ltmp6:
0x124: {  	s31 =	simm.s32 $0x2;
	s0 =	sadd.s32 s29, s0;
	(pc) =	sbr.rel @p0 .LBB2_14-.Ltmp6, $4  }
0x125: {  	[tilespmem:s30], [sflag:$0x1] =	stream.linear.gather [hbm4b:s0+s2], $0x5500, $0x38;
	[tilespmem:$0x17D00] =	vst v63  }
0x126: {  	_ =	swait.ge [sflag:s31], $0x5500  }
0x127: {  	[sflag:s31] =	ssyncset.done $0x0  }
0x128: {  	[sflag:s31] =	ssyncadd.s32 $0xFFFFAB00  }
.LBB2_13:
0x129: {  	s0 =	simm.s32 $0x4  }
0x12a: {  	_ =	swait.ge [sflag:s0], $0x5400  }
0x12b: {  	[sflag:s0] =	ssyncset.done $0x0  }
0x12c: {  	[sflag:s0] =	ssyncadd.s32 $0xFFFFAC00  }
.LBB2_14:
0x12d: {  	s6 =	rddreg [dreg:$0x1f]  }
0x12e: {  	s31 =	sld [smem:$0x7E7]  }
0x12f: {  	s16 =	sld [smem:$0x7EE]  }
0x130: {  	s17 =	sld [smem:$0x7EF]  }
0x131: {  	s0 =	sadd.s32 $0xFFFFFF00, s21;
	s18 =	sld [smem:$0x7F0]  }
0x132: {  	s19 =	sld [smem:$0x7F1];
	s1 =	sadd.s32 $0x1F0, s0  }
0x133: {  	s2 =	sadd.s32 $0x110, s0;
	s4 =	sadd.s32 $0x120, s0;
	s5 =	sadd.s32 $0x130, s0  }
0x134: {  	s26 =	sadd.s32 $0x140, s0;
	s7 =	sadd.s32 $0x150, s0;
	s8 =	sadd.s32 $0x160, s0  }
0x135: {  	s9 =	sadd.s32 $0x170, s0;
	s10 =	sadd.s32 $0x190, s0;
	s11 =	sadd.s32 $0x1A0, s0  }
0x136: {  	s15 =	sadd.s32 $0x1B0, s0;
	s13 =	sadd.s32 $0x1C0, s0;
	s14 =	sadd.s32 $0x1D0, s0  }
0x137: {  	s0 =	sadd.s32 $0x1E0, s0;
	s2 =	sand.u32 $0x70, s2;
	s30 =	sand.u32 $0x70, s14  }
0x138: {  	s14 =	sand.u32 $0x70, s0;
	s0 =	sor.u32 s2, s31;
	s2 =	sld [smem:$0x7E9]  }
0x139: {  	s20 =	sld [smem:$0x7F2]  }
0x13a: {  	s22 =	sld [smem:$0x7F3];
	s1 =	sand.u32 $0x70, s1;
	s4 =	sand.u32 $0x70, s4  }
0x13b: {  	s1 =	sor.u32 s1, s6;
	v2 =	vld [tilespmem:s0+$0x8000];
	s0 =	sor.u32 s4, s2;
	s4 =	sld [smem:$0x7EB]  }
0x13c: {  	s3 =	simm.s32 $0x100;
	s23 =	sld [smem:$0x7F6];
	v5 =	vld [tilespmem:s1+$0x8000]  }
0x13d: {  	s12 =	simm.s32 $0x0;
	s24 =	sld [smem:$0x7F4];
	s5 =	sand.u32 $0x70, s5  }
0x13e: {  	s7 =	sand.u32 $0x70, s7;
	s2 =	sor.u32 s5, s4;
	s5 =	sld [smem:$0x7EC]  }
0x13f: {  	s8 =	sand.u32 $0x70, s8;
	s9 =	sand.u32 $0x70, s9;
	s10 =	sand.u32 $0x70, s10  }
0x140: {  	s11 =	sand.u32 $0x70, s11;
	s15 =	sand.u32 $0x70, s15;
	s6 =	sand.u32 $0x70, s26  }
0x141: {  	s13 =	sand.u32 $0x70, s13;
	s4 =	sor.u32 s6, s5;
	s6 =	sld [smem:$0x7ED];
	[tilespmem:s3+$0x70] =	vst v5  }
0x142: {  	s29 =	sor.u32 s8, s16;
	s16 =	sor.u32 s30, s24;
	s30 =	sld [smem:$0x7F5]  }
0x143: {  	s28 =	sor.u32 s10, s18;
	s26 =	sor.u32 s11, s19;
	v3 =	vld [tilespmem:s0+$0x8000];
	s31 =	sld [smem:$0x7F7]  }
0x144: {  	s25 =	sor.u32 s15, s20;
	s19 =	sor.u32 s13, s22;
	s15 =	sand.u32 $0xFFFFFF00, s23;
	v4 =	vld [tilespmem:s2+$0x8000]  }
0x145: {  	s13 =	simm.s32 $0x100;
	s0 =	sor.u32 s9, s17;
	v6 =	vld [tilespmem:s4+$0x8000];
	s5 =	sor.u32 s7, s6  }
0x146: {  	s18 =	rddreg [dreg:$0x1e];
	s7 =	sor.u32 s14, s30;
	v5 =	vld [tilespmem:s5+$0x8000];
	s4 =	sand.u32 $0xFFFFFF00, s31  }
.LBB2_15:
0x147: {  	s1 =	sadd.s32 s12, s21;
	s12 =	sadd.s32 $0x100, s12;
	s18 =	sadd.s32 $0x200, s18  }
0x148: {  	s2 =	sadd.s32 $0x1F0, s1;
	p0 =	slt.u32 s12, $0x2900;
	s21 =	sadd.s32 $0x110, s1  }
0x149: {  	s5 =	sand.u32 $0xFFFFFF00, s18;
	s6 =	sadd.s32 $0x120, s1;
	s8 =	sadd.s32 $0x130, s1  }
0x14a: {  	s9 =	sadd.s32 $0x150, s1;
	s10 =	sadd.s32 $0x160, s1;
	s11 =	sadd.s32 $0x190, s1  }
0x14b: {  	s17 =	sadd.s32 $0x1A0, s1;
	s14 =	sadd.s32 $0x1B0, s1;
	s20 =	sadd.s32 $0x1C0, s1  }
0x14c: {  	s31 =	sadd.s32 $0x1D0, s1;
	s22 =	sadd.s32 $0xFFFFFE60, s18;
	s23 =	sadd.s32 $0xFFFFFEA0, s18  }
0x14d: {  	s24 =	sadd.s32 $0xFFFFFEE0, s18;
	s30 =	sadd.s32 $0xFFFFFFE0, s18;
	s2 =	sand.u32 $0x70, s2  }
0x14e: {  	s6 =	sand.u32 $0x70, s6;
	s9 =	sand.u32 $0x70, s9;
	s10 =	sand.u32 $0x70, s10  }
0x14f: {  	s11 =	sand.u32 $0x70, s11;
	s17 =	sand.u32 $0x70, s17;
	s14 =	sand.u32 $0x70, s14  }
0x150: {  	s20 =	sand.u32 $0x70, s20;
	s22 =	sand.u32 $0xFFFFFF00, s22;
	s23 =	sand.u32 $0xFFFFFF00, s23;
	[tilespmem:s3+$0xFFFFFF90] =	vst v2;
	v2 =	vld [tilespmem:s29+$0x8000]  }
0x151: {  	s24 =	sand.u32 $0xFFFFFF00, s24;
	s30 =	sand.u32 $0xFFFFFF00, s30;
	[dreg:$0x10] =	wrdreg s10;
	[tilespmem:s3+$0xFFFFFFA0] =	vst v3;
	v3 =	vld [tilespmem:s0+$0x8000]  }
0x152: {  	s2 =	sor.u32 s2, s5;
	s5 =	sadd.s32 $0x140, s1;
	[dreg:$0x11] =	wrdreg s17;
	[tilespmem:s3+$0xFFFFFFC0] =	vst v6;
	v6 =	vld [tilespmem:s26+$0x8000]  }
0x153: {  	s17 =	sadd.s32 $0xFFFFFE20, s18;
	s6 =	sor.u32 s6, s22;
	v7 =	vld [tilespmem:s2+$0x8000];
	s2 =	sadd.s32 $0x170, s1  }
0x154: {  	[tilespmem:s3+$0xFFFFFFD0] =	vst v5;
	s1 =	sadd.s32 $0x1E0, s1;
	v5 =	vld [tilespmem:s7+$0x8000];
	s7 =	sadd.s32 $0xFFFFFEC0, s18;
	s26 =	sadd.s32 $0xFFFFFF60, s18  }
0x155: {  	[tilespmem:s3+$0xFFFFFFB0] =	vst v4;
	v4 =	vld [tilespmem:s28+$0x8000];
	s28 =	sadd.s32 $0xFFFFFF80, s18;
	s29 =	sadd.s32 $0xFFFFFFC0, s18;
	s0 =	sand.u32 $0x70, s21  }
0x156: {  	s21 =	sand.u32 $0x70, s8;
	s5 =	sand.u32 $0x70, s5;
	s8 =	sand.u32 $0x70, s31  }
0x157: {  	s31 =	sadd.s32 $0xFFFFFF20, s18;
	s22 =	rddreg [dreg:$0x10];
	s10 =	sand.u32 $0x70, s2  }
0x158: {  	[dreg:$0xb] =	wrdreg s8;
	s8 =	sand.u32 $0x70, s1;
	s7 =	sand.u32 $0xFFFFFF00, s7;
	[tilespmem:s3+$0xFFFFFFE0] =	vst v2  }
0x159: {  	s26 =	sand.u32 $0xFFFFFF00, s26;
	s1 =	sand.u32 $0xFFFFFF00, s28;
	s2 =	sand.u32 $0xFFFFFF00, s29;
	v2 =	vld [tilespmem:s25+$0x8000];
	[tilespmem:s3+$0xFFFFFFF0] =	vst v3  }
0x15a: {  	s5 =	sor.u32 s5, s23;
	s29 =	sor.u32 s22, s24;
	s23 =	rddreg [dreg:$0x11];
	v3 =	vld [tilespmem:s19+$0x8000];
	[tilespmem:s3+$0x10] =	vst v4  }
0x15b: {  	s9 =	sor.u32 s9, s7;
	s26 =	sor.u32 s23, s26;
	s24 =	rddreg [dreg:$0xb];
	v4 =	vld [tilespmem:s16+$0x8000];
	[tilespmem:s13+$0x20] =	vst v6  }
0x15c: {  	s7 =	sor.u32 s8, s30;
	s19 =	sadd.s32 $0xFFFFFE40, s18;
	s3 =	sadd.s32 $0x100, s3;
	v6 =	vld.idx.msk [tilespmem:v1+s15+$0x0 ss:$0x1], $0xffff;
	[tilespmem:s13+$0x60] =	vst v5  }
0x15d: {  	s16 =	sadd.s32 $0xFFFFFE80, s18;
	s25 =	sadd.s32 $0xFFFFFF00, s18;
	s15 =	sadd.s32 $0xFFFFFF40, s18;
	[tilespmem:s3+$0x70] =	vst v7;
	v7 =	vld.idx.msk [tilespmem:v1+s4+$0x0 ss:$0x1], $0xffff  }
0x15e: {  	s4 =	sadd.s32 $0xFFFFFFA0, s18;
	s19 =	sand.u32 $0xFFFFFF00, s19;
	s16 =	sand.u32 $0xFFFFFF00, s16;
	[tilespmem:s13+$0x30] =	vst v2  }
.Ltmp7:
0x15f: {  	v5 =	vld [tilespmem:s9+$0x8000];
	s15 =	sand.u32 $0xFFFFFF00, s15;
	s0 =	sor.u32 s0, s19;
	[tilespmem:s13+$0x40] =	vst v3;
	(pc) =	sbr.rel @p0 .LBB2_15-.Ltmp7, $4  }
0x160: {  	s25 =	sand.u32 $0xFFFFFF00, s25;
	s4 =	sand.u32 $0xFFFFFF00, s4;
	s28 =	sor.u32 s11, s15;
	[tilespmem:s13+$0x50] =	vst v4;
	v2 =	vld [tilespmem:s0+$0x8000]  }
0x161: {  	s15 =	sand.u32 $0xFFFFFF00, s17;
	s19 =	sor.u32 s20, s4;
	s4 =	sand.u32 $0xFFFFFF00, s31;
	[tilespmem:s13+$0xFFFFFF80] =	vst v6;
	v3 =	vld [tilespmem:s6+$0x8000]  }
0x162: {  	s0 =	sor.u32 s10, s25;
	s25 =	sor.u32 s14, s1;
	v6 =	vld [tilespmem:s5+$0x8000];
	[tilespmem:s13+$0x0] =	vst v7;
	s13 =	sor.u32 s21, s16  }
0x163: {  	s21 =	rddreg [dreg:$0x4];
	s16 =	sor.u32 s24, s2;
	v4 =	vld [tilespmem:s13+$0x8000];
	s13 =	smov.u32 s3  }
0x164: {  	[tilespmem:s3+$0xFFFFFFD0] =	vst v5;
	v5 =	vld [tilespmem:s25+$0x8000]  }
0x165: {  	[tilespmem:s3+$0xFFFFFF90] =	vst v2;
	v2 =	vld [tilespmem:s29+$0x8000]  }
0x166: {  	[tilespmem:s3+$0xFFFFFFA0] =	vst v3;
	v3 =	vld [tilespmem:s0+$0x8000]  }
0x167: {  	[tilespmem:s3+$0xFFFFFFC0] =	vst v6;
	v6 =	vld [tilespmem:s26+$0x8000]  }
0x168: {  	[tilespmem:s3+$0xFFFFFFB0] =	vst v4;
	v4 =	vld [tilespmem:s28+$0x8000]  }
0x169: {  	v7 =	vld.idx.msk [tilespmem:v1+s4+$0x0 ss:$0x1], $0xffff;
	[tilespmem:s13+$0x30] =	vst v5  }
0x16a: {  	[tilespmem:s3+$0xFFFFFFE0] =	vst v2;
	v2 =	vld [tilespmem:s19+$0x8000]  }
0x16b: {  	[tilespmem:s3+$0xFFFFFFF0] =	vst v3;
	v3 =	vld [tilespmem:s16+$0x8000]  }
0x16c: {  	[tilespmem:s13+$0x20] =	vst v6;
	v6 =	vld.idx.msk [tilespmem:v1+s15+$0x0 ss:$0x1], $0xffff  }
0x16d: {  	[tilespmem:s3+$0x10] =	vst v4;
	v4 =	vld [tilespmem:s7+$0x8000]  }
0x16e: {  	[tilespmem:s13+$0x0] =	vst v7  }
0x16f: {  	[tilespmem:s13+$0x40] =	vst v2  }
0x170: {  	[tilespmem:s13+$0x50] =	vst v3  }
0x171: {  	[tilespmem:s13+$0xFFFFFF80] =	vst v6  }
0x172: {  	[tilespmem:s13+$0x60] =	vst v4  }
0x173: {  	s30 =	sld [smem:$0x7FA];
	_ =	sdelay $0x2  }
0x174: {  	v2 =	vld [tilespmem:s30+$0xD400];
	_ =	sdelay $0x4  }
0x175: {  	s31 =	rddreg [dreg:$0x1d];
	[tilespmem:$0x2A80] =	vst v2  }
0x176: {  	v2 =	vld [tilespmem:s31+$0x70]  }
0x177: {  	v3 =	vld [tilespmem:s31+$0xFFFFFF90]  }
0x178: {  	v4 =	vld [tilespmem:s31+$0xFFFFFFA0]  }
0x179: {  	v5 =	vld [tilespmem:s31+$0xFFFFFFB0]  }
0x17a: {  	s13 =	simm.s32 $0x12A00;
	v6 =	vld [tilespmem:s31+$0xFFFFFFC0]  }
0x17b: {  	v7 =	vld [tilespmem:s31+$0xFFFFFFD0];
	[tilespmem:s13+$0x70] =	vst v2  }
0x17c: {  	v8 =	vld [tilespmem:s31+$0x10];
	[tilespmem:s13+$0xFFFFFF10] =	vst v3  }
0x17d: {  	v2 =	vld [tilespmem:s31+$0xFFFFFFE0];
	[tilespmem:s13+$0xFFFFFF20] =	vst v4  }
0x17e: {  	[tilespmem:s13+$0xFFFFFF30] =	vst v5;
	v4 =	vld [tilespmem:s31+$0x0]  }
0x17f: {  	v3 =	vld [tilespmem:s31+$0xFFFFFFF0];
	[tilespmem:s13+$0xFFFFFF40] =	vst v6  }
0x180: {  	[tilespmem:s13+$0xFFFFFF50] =	vst v7;
	v7 =	vld [tilespmem:s31+$0x20]  }
0x181: {  	v6 =	vld [tilespmem:s31+$0x30];
	[tilespmem:s13+$0x10] =	vst v8  }
0x182: {  	v5 =	vld [tilespmem:s31+$0x40];
	[tilespmem:s13+$0xFFFFFF60] =	vst v2  }
0x183: {  	[tilespmem:s13+$0x0] =	vst v4;
	v4 =	vld [tilespmem:s31+$0x50]  }
0x184: {  	[tilespmem:s13+$0xFFFFFF70] =	vst v3;
	v3 =	vld [tilespmem:s31+$0x60]  }
0x185: {  	s4 =	simm.s32 $0x0;
	s7 =	sadd.s32 $0x100, s31;
	v2 =	vld [tilespmem:s31+$0xFFFFFF80];
	[tilespmem:s13+$0x20] =	vst v7  }
.LBB2_17:
0x186: {  	v7 =	vld [tilespmem:s7+$0x70];
	s4 =	sadd.s32 $0x100, s4;
	[tilespmem:s13+$0x30] =	vst v6  }
0x187: {  	v6 =	vld [tilespmem:s7+$0xFFFFFF90];
	p0 =	slt.u32 s4, $0x2900;
	[tilespmem:s13+$0x40] =	vst v5  }
0x188: {  	v5 =	vld [tilespmem:s7+$0xFFFFFFA0];
	[tilespmem:s13+$0x50] =	vst v4  }
0x189: {  	v4 =	vld [tilespmem:s7+$0xFFFFFFB0];
	[tilespmem:s13+$0x60] =	vst v3  }
0x18a: {  	v3 =	vld [tilespmem:s7+$0xFFFFFFC0];
	[tilespmem:s13+$0xFFFFFF00] =	vst v2;
	s13 =	sadd.s32 $0x200, s13  }
0x18b: {  	s3 =	simm.s32 $0x100;
	v2 =	vld [tilespmem:s7+$0xFFFFFFD0];
	[tilespmem:s13+$0x70] =	vst v7  }
0x18c: {  	[tilespmem:s13+$0xFFFFFF10] =	vst v6;
	v6 =	vld [tilespmem:s7+$0xFFFFFFE0]  }
0x18d: {  	[tilespmem:s13+$0xFFFFFF20] =	vst v5;
	v5 =	vld [tilespmem:s7+$0xFFFFFFF0]  }
0x18e: {  	[tilespmem:s13+$0xFFFFFF30] =	vst v4;
	v4 =	vld [tilespmem:s7+$0x0]  }
0x18f: {  	[tilespmem:s13+$0xFFFFFF40] =	vst v3;
	v3 =	vld [tilespmem:s7+$0x10]  }
0x190: {  	[tilespmem:s13+$0xFFFFFF50] =	vst v2;
	v7 =	vld [tilespmem:s7+$0x20]  }
.Ltmp8:
0x191: {  	[tilespmem:s13+$0xFFFFFF60] =	vst v6;
	v6 =	vld [tilespmem:s7+$0x30];
	(pc) =	sbr.rel @p0 .LBB2_17-.Ltmp8, $4  }
0x192: {  	[tilespmem:s13+$0xFFFFFF70] =	vst v5;
	v5 =	vld [tilespmem:s7+$0x40]  }
0x193: {  	[tilespmem:s13+$0x0] =	vst v4;
	v4 =	vld [tilespmem:s7+$0x50]  }
0x194: {  	[tilespmem:s13+$0x10] =	vst v3;
	v3 =	vld [tilespmem:s7+$0x60]  }
0x195: {  	v2 =	vld [tilespmem:s7+$0xFFFFFF80];
	[tilespmem:s13+$0x20] =	vst v7;
	s7 =	sadd.s32 $0x100, s7  }
0x196: {  	s0 =	sadd.s32 $0xFFFFFF00, s21;
	s6 =	rddreg [dreg:$0x1f];
	[tilespmem:s13+$0x30] =	vst v6  }
0x197: {  	s1 =	sadd.s32 $0x1F0, s0;
	s2 =	sadd.s32 $0x110, s0;
	[tilespmem:s13+$0x40] =	vst v5  }
0x198: {  	s4 =	sadd.s32 $0x120, s0;
	s5 =	sadd.s32 $0x130, s0;
	s23 =	sadd.s32 $0x140, s0;
	[tilespmem:s13+$0x50] =	vst v4  }
0x199: {  	s7 =	sadd.s32 $0x150, s0;
	s8 =	sadd.s32 $0x160, s0;
	s9 =	sadd.s32 $0x170, s0;
	[tilespmem:s13+$0x60] =	vst v3  }
0x19a: {  	s10 =	sadd.s32 $0x190, s0;
	s11 =	sadd.s32 $0x1A0, s0;
	s16 =	sadd.s32 $0x1B0, s0;
	[tilespmem:s13+$0xFFFFFF00] =	vst v2  }
0x19b: {  	s14 =	sadd.s32 $0x1C0, s0;
	s15 =	sadd.s32 $0x1D0, s0;
	s31 =	sld [smem:$0x7E7]  }
0x19c: {  	s0 =	sadd.s32 $0x1E0, s0;
	s30 =	sand.u32 $0x70, s15;
	s15 =	sld [smem:$0x7EE]  }
0x19d: {  	s2 =	sand.u32 $0x70, s2;
	s24 =	sand.u32 $0x70, s14;
	s17 =	sld [smem:$0x7EF]  }
0x19e: {  	s14 =	sand.u32 $0x70, s0;
	s0 =	sor.u32 s2, s31;
	s2 =	sld [smem:$0x7E9]  }
0x19f: {  	s18 =	sld [smem:$0x7F0]  }
0x1a0: {  	s1 =	sand.u32 $0x70, s1;
	s4 =	sand.u32 $0x70, s4;
	s19 =	sld [smem:$0x7F1]  }
0x1a1: {  	s1 =	sor.u32 s1, s6;
	v2 =	vld [tilespmem:s0+$0x8080];
	s0 =	sor.u32 s4, s2;
	s4 =	sld [smem:$0x7EB]  }
0x1a2: {  	s12 =	simm.s32 $0x0;
	v5 =	vld [tilespmem:s1+$0x8080];
	s22 =	sld [smem:$0x7F3]  }
0x1a3: {  	s5 =	sand.u32 $0x70, s5;
	s7 =	sand.u32 $0x70, s7;
	s20 =	sld [smem:$0x7F2]  }
0x1a4: {  	s11 =	sand.u32 $0x70, s11;
	s2 =	sor.u32 s5, s4;
	s5 =	sld [smem:$0x7EC]  }
0x1a5: {  	s26 =	sor.u32 s11, s19;
	s19 =	sor.u32 s24, s22;
	s24 =	sld [smem:$0x7F4]  }
0x1a6: {  	s8 =	sand.u32 $0x70, s8;
	s6 =	sand.u32 $0x70, s23;
	s23 =	sld [smem:$0x7F6]  }
0x1a7: {  	s16 =	sand.u32 $0x70, s16;
	s4 =	sor.u32 s6, s5;
	s6 =	sld [smem:$0x7ED];
	[tilespmem:s3+$0x70] =	vst v5  }
0x1a8: {  	s25 =	sor.u32 s16, s20;
	s16 =	sor.u32 s30, s24;
	s30 =	sld [smem:$0x7F5]  }
0x1a9: {  	s9 =	sand.u32 $0x70, s9;
	s10 =	sand.u32 $0x70, s10;
	v3 =	vld [tilespmem:s0+$0x8080];
	s31 =	sld [smem:$0x7F7]  }
0x1aa: {  	s13 =	simm.s32 $0x100;
	s29 =	sor.u32 s8, s15;
	s28 =	sor.u32 s10, s18;
	v4 =	vld [tilespmem:s2+$0x8080]  }
0x1ab: {  	s15 =	sand.u32 $0xFFFFFF00, s23;
	s0 =	sor.u32 s9, s17;
	v6 =	vld [tilespmem:s4+$0x8080];
	s5 =	sor.u32 s7, s6  }
0x1ac: {  	s18 =	rddreg [dreg:$0x1e];
	s7 =	sor.u32 s14, s30;
	v5 =	vld [tilespmem:s5+$0x8080];
	s4 =	sand.u32 $0xFFFFFF00, s31  }
.LBB2_19:
0x1ad: {  	s1 =	sadd.s32 s12, s21;
	s12 =	sadd.s32 $0x100, s12;
	s18 =	sadd.s32 $0x200, s18  }
0x1ae: {  	s2 =	sadd.s32 $0x1F0, s1;
	p0 =	slt.u32 s12, $0x2900;
	s21 =	sadd.s32 $0x110, s1  }
0x1af: {  	s5 =	sand.u32 $0xFFFFFF00, s18;
	s6 =	sadd.s32 $0x120, s1;
	s8 =	sadd.s32 $0x130, s1  }
0x1b0: {  	s9 =	sadd.s32 $0x150, s1;
	s10 =	sadd.s32 $0x160, s1;
	s11 =	sadd.s32 $0x190, s1  }
0x1b1: {  	s17 =	sadd.s32 $0x1A0, s1;
	s14 =	sadd.s32 $0x1B0, s1;
	s20 =	sadd.s32 $0x1C0, s1  }
0x1b2: {  	s31 =	sadd.s32 $0x1D0, s1;
	s22 =	sadd.s32 $0xFFFFFE60, s18;
	s23 =	sadd.s32 $0xFFFFFEA0, s18  }
0x1b3: {  	s24 =	sadd.s32 $0xFFFFFEE0, s18;
	s30 =	sadd.s32 $0xFFFFFFE0, s18;
	s2 =	sand.u32 $0x70, s2  }
0x1b4: {  	s6 =	sand.u32 $0x70, s6;
	s9 =	sand.u32 $0x70, s9;
	s10 =	sand.u32 $0x70, s10  }
0x1b5: {  	s11 =	sand.u32 $0x70, s11;
	s17 =	sand.u32 $0x70, s17;
	s14 =	sand.u32 $0x70, s14  }
0x1b6: {  	s20 =	sand.u32 $0x70, s20;
	s22 =	sand.u32 $0xFFFFFF00, s22;
	s23 =	sand.u32 $0xFFFFFF00, s23;
	[tilespmem:s3+$0xFFFFFF90] =	vst v2;
	v2 =	vld [tilespmem:s29+$0x8080]  }
0x1b7: {  	s24 =	sand.u32 $0xFFFFFF00, s24;
	s30 =	sand.u32 $0xFFFFFF00, s30;
	[dreg:$0x12] =	wrdreg s10;
	[tilespmem:s3+$0xFFFFFFA0] =	vst v3;
	v3 =	vld [tilespmem:s0+$0x8080]  }
0x1b8: {  	s2 =	sor.u32 s2, s5;
	s5 =	sadd.s32 $0x140, s1;
	[dreg:$0x13] =	wrdreg s17;
	[tilespmem:s3+$0xFFFFFFC0] =	vst v6;
	v6 =	vld [tilespmem:s26+$0x8080]  }
0x1b9: {  	s17 =	sadd.s32 $0xFFFFFE20, s18;
	s6 =	sor.u32 s6, s22;
	v7 =	vld [tilespmem:s2+$0x8080];
	s2 =	sadd.s32 $0x170, s1  }
0x1ba: {  	[tilespmem:s3+$0xFFFFFFD0] =	vst v5;
	s1 =	sadd.s32 $0x1E0, s1;
	v5 =	vld [tilespmem:s7+$0x8080];
	s7 =	sadd.s32 $0xFFFFFEC0, s18;
	s26 =	sadd.s32 $0xFFFFFF60, s18  }
0x1bb: {  	[tilespmem:s3+$0xFFFFFFB0] =	vst v4;
	v4 =	vld [tilespmem:s28+$0x8080];
	s28 =	sadd.s32 $0xFFFFFF80, s18;
	s29 =	sadd.s32 $0xFFFFFFC0, s18;
	s0 =	sand.u32 $0x70, s21  }
0x1bc: {  	s21 =	sand.u32 $0x70, s8;
	s5 =	sand.u32 $0x70, s5;
	s8 =	sand.u32 $0x70, s31  }
0x1bd: {  	s31 =	sadd.s32 $0xFFFFFF20, s18;
	s22 =	rddreg [dreg:$0x12];
	s10 =	sand.u32 $0x70, s2  }
0x1be: {  	[dreg:$0xc] =	wrdreg s8;
	s8 =	sand.u32 $0x70, s1;
	s7 =	sand.u32 $0xFFFFFF00, s7;
	[tilespmem:s3+$0xFFFFFFE0] =	vst v2  }
0x1bf: {  	s26 =	sand.u32 $0xFFFFFF00, s26;
	s1 =	sand.u32 $0xFFFFFF00, s28;
	s2 =	sand.u32 $0xFFFFFF00, s29;
	v2 =	vld [tilespmem:s25+$0x8080];
	[tilespmem:s3+$0xFFFFFFF0] =	vst v3  }
0x1c0: {  	s5 =	sor.u32 s5, s23;
	s29 =	sor.u32 s22, s24;
	s23 =	rddreg [dreg:$0x13];
	v3 =	vld [tilespmem:s19+$0x8080];
	[tilespmem:s3+$0x10] =	vst v4  }
0x1c1: {  	s9 =	sor.u32 s9, s7;
	s26 =	sor.u32 s23, s26;
	s24 =	rddreg [dreg:$0xc];
	v4 =	vld [tilespmem:s16+$0x8080];
	[tilespmem:s13+$0x20] =	vst v6  }
0x1c2: {  	s7 =	sor.u32 s8, s30;
	s19 =	sadd.s32 $0xFFFFFE40, s18;
	s3 =	sadd.s32 $0x100, s3;
	v6 =	vld.idx.msk [tilespmem:v1+s15+$0x80 ss:$0x1], $0xffff;
	[tilespmem:s13+$0x60] =	vst v5  }
0x1c3: {  	s16 =	sadd.s32 $0xFFFFFE80, s18;
	s25 =	sadd.s32 $0xFFFFFF00, s18;
	s15 =	sadd.s32 $0xFFFFFF40, s18;
	[tilespmem:s3+$0x70] =	vst v7;
	v7 =	vld.idx.msk [tilespmem:v1+s4+$0x80 ss:$0x1], $0xffff  }
0x1c4: {  	s4 =	sadd.s32 $0xFFFFFFA0, s18;
	s19 =	sand.u32 $0xFFFFFF00, s19;
	s16 =	sand.u32 $0xFFFFFF00, s16;
	[tilespmem:s13+$0x30] =	vst v2  }
.Ltmp9:
0x1c5: {  	v5 =	vld [tilespmem:s9+$0x8080];
	s15 =	sand.u32 $0xFFFFFF00, s15;
	s0 =	sor.u32 s0, s19;
	[tilespmem:s13+$0x40] =	vst v3;
	(pc) =	sbr.rel @p0 .LBB2_19-.Ltmp9, $4  }
0x1c6: {  	s25 =	sand.u32 $0xFFFFFF00, s25;
	s4 =	sand.u32 $0xFFFFFF00, s4;
	s28 =	sor.u32 s11, s15;
	[tilespmem:s13+$0x50] =	vst v4;
	v2 =	vld [tilespmem:s0+$0x8080]  }
0x1c7: {  	s15 =	sand.u32 $0xFFFFFF00, s17;
	s19 =	sor.u32 s20, s4;
	s4 =	sand.u32 $0xFFFFFF00, s31;
	[tilespmem:s13+$0xFFFFFF80] =	vst v6;
	v3 =	vld [tilespmem:s6+$0x8080]  }
0x1c8: {  	s0 =	sor.u32 s10, s25;
	s25 =	sor.u32 s14, s1;
	v6 =	vld [tilespmem:s5+$0x8080];
	[tilespmem:s13+$0x0] =	vst v7;
	s13 =	sor.u32 s21, s16  }
0x1c9: {  	s21 =	rddreg [dreg:$0x4];
	s16 =	sor.u32 s24, s2;
	v4 =	vld [tilespmem:s13+$0x8080];
	s13 =	smov.u32 s3  }
0x1ca: {  	[tilespmem:s3+$0xFFFFFFD0] =	vst v5;
	v5 =	vld [tilespmem:s25+$0x8080]  }
0x1cb: {  	[tilespmem:s3+$0xFFFFFF90] =	vst v2;
	v2 =	vld [tilespmem:s29+$0x8080]  }
0x1cc: {  	[tilespmem:s3+$0xFFFFFFA0] =	vst v3;
	v3 =	vld [tilespmem:s0+$0x8080]  }
0x1cd: {  	[tilespmem:s3+$0xFFFFFFC0] =	vst v6;
	v6 =	vld [tilespmem:s26+$0x8080]  }
0x1ce: {  	[tilespmem:s3+$0xFFFFFFB0] =	vst v4;
	v4 =	vld [tilespmem:s28+$0x8080]  }
0x1cf: {  	v7 =	vld.idx.msk [tilespmem:v1+s4+$0x80 ss:$0x1], $0xffff;
	[tilespmem:s13+$0x30] =	vst v5  }
0x1d0: {  	[tilespmem:s3+$0xFFFFFFE0] =	vst v2;
	v2 =	vld [tilespmem:s19+$0x8080]  }
0x1d1: {  	[tilespmem:s3+$0xFFFFFFF0] =	vst v3;
	v3 =	vld [tilespmem:s16+$0x8080]  }
0x1d2: {  	[tilespmem:s13+$0x20] =	vst v6;
	v6 =	vld.idx.msk [tilespmem:v1+s15+$0x80 ss:$0x1], $0xffff  }
0x1d3: {  	[tilespmem:s3+$0x10] =	vst v4;
	v4 =	vld [tilespmem:s7+$0x8080]  }
0x1d4: {  	[tilespmem:s13+$0x0] =	vst v7  }
0x1d5: {  	[tilespmem:s13+$0x40] =	vst v2  }
0x1d6: {  	[tilespmem:s13+$0x50] =	vst v3  }
0x1d7: {  	[tilespmem:s13+$0xFFFFFF80] =	vst v6  }
0x1d8: {  	[tilespmem:s13+$0x60] =	vst v4  }
0x1d9: {  	s29 =	sld [smem:$0x7FA];
	_ =	sdelay $0x2  }
0x1da: {  	v2 =	vld [tilespmem:s29+$0xD480];
	_ =	sdelay $0x4  }
0x1db: {  	s1 =	rddreg [dreg:$0x1d];
	[tilespmem:$0x2A80] =	vst v2  }
0x1dc: {  	v2 =	vld [tilespmem:s1+$0x70]  }
0x1dd: {  	v3 =	vld [tilespmem:s1+$0xFFFFFF90]  }
0x1de: {  	v4 =	vld [tilespmem:s1+$0xFFFFFFA0]  }
0x1df: {  	s4 =	simm.s32 $0x1E0;
	v5 =	vld [tilespmem:s1+$0xFFFFFFB0]  }
0x1e0: {  	s30 =	sor.u32 $0x70, s4;
	v6 =	vld [tilespmem:s1+$0xFFFFFFC0]  }
0x1e1: {  	s3 =	simm.s32 $0x129F0;
	v7 =	vld [tilespmem:s1+$0xFFFFFFD0];
	[tilespmem:s30+$0x12900] =	vst v2  }
0x1e2: {  	[tilespmem:s3+$0xFFFFFFA0] =	vst v3;
	v2 =	vld [tilespmem:s1+$0xFFFFFFE0]  }
0x1e3: {  	[tilespmem:s3+$0xFFFFFFB0] =	vst v4;
	v4 =	vld [tilespmem:s1+$0xFFFFFFF0]  }
0x1e4: {  	[tilespmem:s3+$0xFFFFFFC0] =	vst v5;
	v5 =	vld [tilespmem:s1+$0x0]  }
0x1e5: {  	[tilespmem:s3+$0xFFFFFFD0] =	vst v6;
	v6 =	vld [tilespmem:s1+$0x10]  }
0x1e6: {  	[tilespmem:s3+$0xFFFFFFE0] =	vst v7;
	v7 =	vld [tilespmem:s1+$0x20]  }
0x1e7: {  	v3 =	vld [tilespmem:s1+$0x30];
	[tilespmem:s3+$0xFFFFFFF0] =	vst v2  }
0x1e8: {  	[tilespmem:s3+$0x0] =	vst v4;
	v4 =	vld [tilespmem:s1+$0x40]  }
0x1e9: {  	[tilespmem:s3+$0x90] =	vst v5;
	v5 =	vld [tilespmem:s1+$0x50]  }
0x1ea: {  	s31 =	simm.s32 $0x1C0;
	[tilespmem:s3+$0xA0] =	vst v6;
	v6 =	vld [tilespmem:s1+$0x60]  }
0x1eb: {  	s7 =	simm.s32 $0x0;
	s13 =	sor.u32 $0x60, s31;
	s15 =	sadd.s32 $0x100, s1;
	v2 =	vld [tilespmem:s1+$0xFFFFFF80];
	[tilespmem:s3+$0xB0] =	vst v7  }
.LBB2_21:
0x1ec: {  	v7 =	vld [tilespmem:s15+$0x70];
	s7 =	sadd.s32 $0x100, s7;
	[tilespmem:s3+$0xC0] =	vst v3  }
0x1ed: {  	v3 =	vld [tilespmem:s15+$0xFFFFFF90];
	p0 =	slt.u32 s7, $0x2900;
	[tilespmem:s3+$0xD0] =	vst v4  }
0x1ee: {  	v4 =	vld [tilespmem:s15+$0xFFFFFFA0];
	[tilespmem:s3+$0xE0] =	vst v5  }
0x1ef: {  	s4 =	sadd.s32 $0x200, s4;
	v5 =	vld [tilespmem:s15+$0xFFFFFFB0];
	[tilespmem:s13+$0x12900] =	vst v6  }
0x1f0: {  	s0 =	sadd.s32 $0xFFFFFFE0, s4;
	s1 =	sor.u32 $0x70, s4;
	v6 =	vld [tilespmem:s15+$0xFFFFFFC0];
	[tilespmem:s3+$0xFFFFFF90] =	vst v2  }
0x1f1: {  	s13 =	sor.u32 $0x60, s0;
	s3 =	sadd.s32 $0x200, s3;
	v2 =	vld [tilespmem:s15+$0xFFFFFFD0];
	[tilespmem:s1+$0x12900] =	vst v7  }
0x1f2: {  	[tilespmem:s3+$0xFFFFFFA0] =	vst v3;
	v3 =	vld [tilespmem:s15+$0xFFFFFFE0]  }
0x1f3: {  	[tilespmem:s3+$0xFFFFFFB0] =	vst v4;
	v4 =	vld [tilespmem:s15+$0xFFFFFFF0]  }
0x1f4: {  	[tilespmem:s3+$0xFFFFFFC0] =	vst v5;
	v5 =	vld [tilespmem:s15+$0x0]  }
0x1f5: {  	[tilespmem:s3+$0xFFFFFFD0] =	vst v6;
	v6 =	vld [tilespmem:s15+$0x10]  }
0x1f6: {  	[tilespmem:s3+$0xFFFFFFE0] =	vst v2;
	v7 =	vld [tilespmem:s15+$0x20]  }
.Ltmp10:
0x1f7: {  	[tilespmem:s3+$0xFFFFFFF0] =	vst v3;
	v3 =	vld [tilespmem:s15+$0x30];
	(pc) =	sbr.rel @p0 .LBB2_21-.Ltmp10, $4  }
0x1f8: {  	[tilespmem:s3+$0x0] =	vst v4;
	v4 =	vld [tilespmem:s15+$0x40]  }
0x1f9: {  	[tilespmem:s3+$0x90] =	vst v5;
	v5 =	vld [tilespmem:s15+$0x50]  }
0x1fa: {  	[tilespmem:s3+$0xA0] =	vst v6;
	v6 =	vld [tilespmem:s15+$0x60]  }
0x1fb: {  	v2 =	vld [tilespmem:s15+$0xFFFFFF80];
	[tilespmem:s3+$0xB0] =	vst v7;
	s15 =	sadd.s32 $0x100, s15  }
0x1fc: {  	[tilespmem:s3+$0xC0] =	vst v3  }
0x1fd: {  	[tilespmem:s3+$0xD0] =	vst v4  }
0x1fe: {  	s0 =	sld [smem:$0x7E5];
	[tilespmem:s3+$0xE0] =	vst v5  }
0x1ff: {  	s1 =	rddreg [dreg:$0x17];
	[tilespmem:s13+$0x12900] =	vst v6  }
0x200: {  	[tilespmem:s3+$0xFFFFFF90] =	vst v2  }
0x201: {  	s2 =	sld [smem:$0x7E6];
	_ =	sdelay $0x2  }
0x202: {  	s2 =	sadd.s32 $0x1, s2  }
0x203: {  	p0 =	sne.s32 s2, $0x14  }
.Ltmp11:
0x204: {  	s0 =	sshll.u32 s0, $0x1;
	(pc) =	sbr.rel @p0 .LBB2_2-.Ltmp11, $4  }
0x205: {  	s0 =	sadd.s32 s1, s0  }
0x206: {  	s30 =	rddreg [dreg:$0x2];
	s7 =	simm.s32 $0x0;
	s0 =	sshrl.u32 s0, $0x3  }
0x207: {  	s31 =	simm.s32 $0x12900;
	s8 =	rddreg [dreg:$0x1e];
	s0 =	sadd.s32 s30, s0  }
0x208: {  	[hbm4b:s0+s7] =	stream.linear.scatter [tilespmem:s31], [sflag:$0x4], $0x5400, $0x38;
	[tilespmem:$0x17D00] =	vst v63  }
0x209: {  	s1 =	sld [smem:$0x7F8]  }
0x20a: {  	s0 =	rddreg [dreg:$0x19]  }
0x20b: {  	s18 =	rddreg [dreg:$0x0]  }
0x20c: {  	s19 =	simm.s32 $0x2B00;
	s20 =	simm.s32 $0x1;
	s0 =	sadd.s32 s0, s1  }
0x20d: {  	s22 =	simm.s32 $0x3;
	s23 =	sadd.s32 $0xFFFFFF00, s21;
	s0 =	sshrl.u32 s0, $0x3  }
0x20e: {  	s2 =	simm.s32 $0x100;
	s11 =	simm.s32 $0x0;
	s0 =	sadd.s32 s18, s0  }
0x20f: {  	[tilespmem:s19], [sflag:$0x1] =	stream.linear.gather [hbm4b:s0+s7], $0x1700, $0x38;
	[tilespmem:$0x17D00] =	vst v63  }
0x210: {  	s24 =	sadd.s32 $0x1F0, s23;
	s4 =	sadd.s32 $0x110, s23;
	_ =	swait.ge [sflag:s20], $0x1700  }
0x211: {  	s5 =	sadd.s32 $0x120, s23;
	s6 =	sadd.s32 $0x130, s23;
	[sflag:s20] =	ssyncset.done $0x0  }
0x212: {  	s25 =	sadd.s32 $0x140, s23;
	s26 =	sadd.s32 $0x150, s23;
	[sflag:s20] =	ssyncadd.s32 $0xFFFFE900  }
0x213: {  	s9 =	sadd.s32 $0x160, s23;
	s10 =	sadd.s32 $0x170, s23;
	_ =	swait.ge [sflag:s22], $0x5400  }
0x214: {  	s29 =	sadd.s32 $0x190, s23;
	s12 =	sadd.s32 $0x1A0, s23;
	s3 =	rddreg [dreg:$0x1f]  }
0x215: {  	s13 =	sadd.s32 $0x1B0, s23;
	s14 =	sadd.s32 $0x1C0, s23;
	s31 =	sld [smem:$0x7E7]  }
0x216: {  	s15 =	sadd.s32 $0x1D0, s23;
	s4 =	sand.u32 $0x70, s4;
	s16 =	sld [smem:$0x7EE]  }
0x217: {  	s30 =	sand.u32 $0x70, s15;
	s0 =	sadd.s32 $0x1E0, s23;
	s17 =	sld [smem:$0x7EF]  }
0x218: {  	s15 =	sand.u32 $0x70, s0;
	s0 =	sor.u32 s4, s31;
	s4 =	sld [smem:$0x7E9]  }
0x219: {  	s5 =	sand.u32 $0x70, s5;
	[sflag:s22] =	ssyncset.done $0x0;
	s18 =	sld [smem:$0x7F0]  }
0x21a: {  	s1 =	sand.u32 $0x70, s24;
	s19 =	sld [smem:$0x7F1];
	[sflag:s22] =	ssyncadd.s32 $0xFFFFAC00  }
0x21b: {  	s1 =	sor.u32 s1, s3;
	v1 =	vld [tilespmem:s0+$0x2B00];
	s0 =	sor.u32 s5, s4;
	s5 =	sld [smem:$0x7EB]  }
0x21c: {  	s6 =	sand.u32 $0x70, s6;
	s9 =	sand.u32 $0x70, s9;
	s23 =	sld [smem:$0x7F3];
	v4 =	vld [tilespmem:s1+$0x2B00]  }
0x21d: {  	s10 =	sand.u32 $0x70, s10;
	s12 =	sand.u32 $0x70, s12;
	s24 =	sld [smem:$0x7F6]  }
0x21e: {  	s13 =	sand.u32 $0x70, s13;
	s4 =	sor.u32 s6, s5;
	s6 =	sld [smem:$0x7EC]  }
0x21f: {  	s14 =	sand.u32 $0x70, s14;
	s3 =	sand.u32 $0x70, s29;
	s29 =	sld [smem:$0x7F4]  }
0x220: {  	s7 =	sand.u32 $0x70, s25;
	s20 =	smov.u32 s8;
	s22 =	sld [smem:$0x7F2]  }
0x221: {  	s8 =	sand.u32 $0x70, s26;
	s5 =	sor.u32 s7, s6;
	s7 =	sld [smem:$0x7ED];
	[tilespmem:s2+$0x70] =	vst v4  }
0x222: {  	v2 =	vld [tilespmem:s0+$0x2B00];
	s0 =	sor.u32 s10, s17;
	s17 =	sor.u32 s30, s29;
	s30 =	sld [smem:$0x7F5]  }
0x223: {  	s28 =	sor.u32 s9, s16;
	s26 =	sor.u32 s3, s18;
	s31 =	sld [smem:$0x7F7]  }
0x224: {  	s25 =	sor.u32 s12, s19;
	s18 =	sor.u32 s14, s23;
	s16 =	sand.u32 $0xFFFFFF00, s24;
	v3 =	vld [tilespmem:s4+$0x2B00]  }
0x225: {  	s19 =	sor.u32 s13, s22;
	s13 =	simm.s32 $0x100;
	v5 =	vld [tilespmem:s5+$0x2B00];
	s6 =	sor.u32 s8, s7  }
0x226: {  	s7 =	sor.u32 s15, s30;
	v4 =	vld [tilespmem:s6+$0x2B00];
	s4 =	sand.u32 $0xFFFFFF00, s31;
	s15 =	smov.u32 s20  }
.LBB2_24:
0x227: {  	s1 =	sadd.s32 s11, s21  }
0x228: {  	s11 =	sadd.s32 $0x100, s11;
	s15 =	sadd.s32 $0x200, s15;
	s5 =	sadd.s32 $0x1F0, s1  }
0x229: {  	p0 =	slt.u32 s11, $0xA00;
	s21 =	sadd.s32 $0x110, s1;
	s6 =	sand.u32 $0xFFFFFF00, s15  }
0x22a: {  	s8 =	sadd.s32 $0x120, s1;
	s9 =	sadd.s32 $0x130, s1;
	s10 =	sadd.s32 $0x150, s1  }
0x22b: {  	s3 =	sadd.s32 $0x160, s1;
	s12 =	sadd.s32 $0x190, s1;
	s14 =	sadd.s32 $0x1A0, s1  }
0x22c: {  	s20 =	sadd.s32 $0x1C0, s1;
	s31 =	sadd.s32 $0x1D0, s1;
	s22 =	sadd.s32 $0xFFFFFE60, s15  }
0x22d: {  	s23 =	sadd.s32 $0xFFFFFEA0, s15;
	s24 =	sadd.s32 $0xFFFFFEE0, s15;
	s29 =	sadd.s32 $0xFFFFFFC0, s15  }
0x22e: {  	s30 =	sadd.s32 $0xFFFFFFE0, s15;
	s5 =	sand.u32 $0x70, s5;
	s8 =	sand.u32 $0x70, s8;
	[tilespmem:s2+$0xFFFFFF90] =	vst v1;
	v1 =	vld [tilespmem:s28+$0x2B00]  }
0x22f: {  	s10 =	sand.u32 $0x70, s10;
	s3 =	sand.u32 $0x70, s3;
	s12 =	sand.u32 $0x70, s12;
	[tilespmem:s2+$0xFFFFFFA0] =	vst v2;
	v2 =	vld [tilespmem:s0+$0x2B00]  }
0x230: {  	s14 =	sand.u32 $0x70, s14;
	s20 =	sand.u32 $0x70, s20;
	s22 =	sand.u32 $0xFFFFFF00, s22;
	[tilespmem:s2+$0xFFFFFFB0] =	vst v3;
	v3 =	vld [tilespmem:s26+$0x2B00]  }
0x231: {  	s29 =	sand.u32 $0xFFFFFF00, s29;
	s30 =	sand.u32 $0xFFFFFF00, s30;
	s5 =	sor.u32 s5, s6;
	[tilespmem:s2+$0xFFFFFFC0] =	vst v5;
	v5 =	vld [tilespmem:s25+$0x2B00]  }
0x232: {  	s6 =	sadd.s32 $0x140, s1;
	s28 =	sadd.s32 $0xFFFFFF80, s15;
	[dreg:$0x14] =	wrdreg s3;
	v6 =	vld [tilespmem:s5+$0x2B00]  }
0x233: {  	s3 =	sadd.s32 $0xFFFFFE20, s15;
	s8 =	sor.u32 s8, s22;
	[tilespmem:s2+$0xFFFFFFD0] =	vst v4;
	s5 =	sadd.s32 $0x170, s1;
	v4 =	vld [tilespmem:s7+$0x2B00]  }
0x234: {  	s7 =	sadd.s32 $0xFFFFFEC0, s15;
	s25 =	sadd.s32 $0xFFFFFF00, s15;
	s26 =	sadd.s32 $0xFFFFFF60, s15;
	[tilespmem:s2+$0xFFFFFFE0] =	vst v1  }
0x235: {  	s0 =	sand.u32 $0x70, s21;
	s21 =	sand.u32 $0x70, s9;
	s6 =	sand.u32 $0x70, s6;
	v1 =	vld [tilespmem:s19+$0x2B00];
	[tilespmem:s2+$0xFFFFFFF0] =	vst v2  }
0x236: {  	s9 =	sand.u32 $0x70, s31;
	s31 =	sadd.s32 $0xFFFFFF20, s15;
	s22 =	rddreg [dreg:$0x14];
	v2 =	vld [tilespmem:s18+$0x2B00];
	[tilespmem:s2+$0x10] =	vst v3  }
0x237: {  	s5 =	sand.u32 $0x70, s5;
	[dreg:$0xd] =	wrdreg s9;
	s7 =	sand.u32 $0xFFFFFF00, s7;
	v3 =	vld [tilespmem:s17+$0x2B00];
	[tilespmem:s13+$0x20] =	vst v5  }
0x238: {  	s10 =	sor.u32 s10, s7;
	s19 =	sadd.s32 $0x1B0, s1;
	s2 =	sadd.s32 $0x100, s2;
	v5 =	vld.idx.msk [tilespmem:v0+s16+$0x0 ss:$0x1], $0xffff;
	[tilespmem:s13+$0x60] =	vst v4  }
0x239: {  	s1 =	sadd.s32 $0x1E0, s1;
	s18 =	sadd.s32 $0xFFFFFE40, s15;
	s17 =	sadd.s32 $0xFFFFFE80, s15;
	[tilespmem:s2+$0x70] =	vst v6;
	v6 =	vld.idx.msk [tilespmem:v0+s4+$0x0 ss:$0x1], $0xffff  }
0x23a: {  	s16 =	sadd.s32 $0xFFFFFF40, s15;
	s19 =	sand.u32 $0x70, s19;
	s9 =	sand.u32 $0x70, s1;
	[tilespmem:s13+$0x30] =	vst v1  }
0x23b: {  	s1 =	sand.u32 $0xFFFFFF00, s28;
	s4 =	sadd.s32 $0xFFFFFFA0, s15;
	s18 =	sand.u32 $0xFFFFFF00, s18;
	[tilespmem:s13+$0x40] =	vst v2  }
0x23c: {  	s16 =	sand.u32 $0xFFFFFF00, s16;
	s19 =	sor.u32 s19, s1;
	s4 =	sand.u32 $0xFFFFFF00, s4;
	[tilespmem:s13+$0x50] =	vst v3  }
0x23d: {  	s7 =	sor.u32 s9, s30;
	s0 =	sor.u32 s0, s18;
	s18 =	sor.u32 s20, s4;
	[tilespmem:s13+$0xFFFFFF80] =	vst v5  }
0x23e: {  	s4 =	sand.u32 $0xFFFFFF00, s31;
	[tilespmem:s13+$0x0] =	vst v6;
	s13 =	sand.u32 $0xFFFFFF00, s17;
	s17 =	sand.u32 $0xFFFFFF00, s23  }
.Ltmp12:
0x23f: {  	v4 =	vld [tilespmem:s10+$0x2B00];
	s23 =	sand.u32 $0xFFFFFF00, s24;
	s24 =	sand.u32 $0xFFFFFF00, s25;
	(pc) =	sbr.rel @p0 .LBB2_24-.Ltmp12, $4  }
0x240: {  	v1 =	vld [tilespmem:s0+$0x2B00];
	s25 =	sand.u32 $0xFFFFFF00, s26;
	s26 =	sor.u32 s12, s16;
	s16 =	sand.u32 $0xFFFFFF00, s3  }
0x241: {  	v2 =	vld [tilespmem:s8+$0x2B00];
	s13 =	sor.u32 s21, s13;
	s21 =	rddreg [dreg:$0x4];
	s6 =	sor.u32 s6, s17  }
0x242: {  	s28 =	sor.u32 s22, s23;
	s0 =	sor.u32 s5, s24;
	s24 =	rddreg [dreg:$0xd];
	v3 =	vld [tilespmem:s13+$0x2B00]  }
0x243: {  	s25 =	sor.u32 s14, s25;
	v5 =	vld [tilespmem:s6+$0x2B00];
	s17 =	sor.u32 s24, s29;
	s13 =	smov.u32 s2  }
0x244: {  	_ = 	snop  }
0x245: {  	[tilespmem:s2+$0xFFFFFF90] =	vst v1;
	v1 =	vld [tilespmem:s28+$0x2B00]  }
0x246: {  	[tilespmem:s2+$0xFFFFFFA0] =	vst v2;
	v2 =	vld [tilespmem:s0+$0x2B00]  }
0x247: {  	[tilespmem:s2+$0xFFFFFFB0] =	vst v3;
	v3 =	vld [tilespmem:s26+$0x2B00]  }
0x248: {  	[tilespmem:s2+$0xFFFFFFC0] =	vst v5;
	v5 =	vld [tilespmem:s25+$0x2B00]  }
0x249: {  	[tilespmem:s2+$0xFFFFFFD0] =	vst v4;
	v4 =	vld [tilespmem:s19+$0x2B00]  }
0x24a: {  	[tilespmem:s2+$0xFFFFFFE0] =	vst v1;
	v1 =	vld [tilespmem:s18+$0x2B00]  }
0x24b: {  	[tilespmem:s2+$0xFFFFFFF0] =	vst v2;
	v2 =	vld [tilespmem:s17+$0x2B00]  }
0x24c: {  	[tilespmem:s2+$0x10] =	vst v3;
	v3 =	vld [tilespmem:s7+$0x2B00]  }
0x24d: {  	[tilespmem:s13+$0x20] =	vst v5;
	v5 =	vld.idx.msk [tilespmem:v0+s16+$0x0 ss:$0x1], $0xffff  }
0x24e: {  	[tilespmem:s13+$0x30] =	vst v4;
	v0 =	vld.idx.msk [tilespmem:v0+s4+$0x0 ss:$0x1], $0xffff  }
0x24f: {  	[tilespmem:s13+$0x40] =	vst v1  }
0x250: {  	[tilespmem:s13+$0x50] =	vst v2  }
0x251: {  	[tilespmem:s13+$0x60] =	vst v3  }
0x252: {  	[tilespmem:s13+$0xFFFFFF80] =	vst v5  }
0x253: {  	[tilespmem:s13+$0x0] =	vst v0  }
0x254: {  	s30 =	sld [smem:$0x7FD]  }
0x255: {  	s1 =	sld [smem:$0x7F9];
	_ =	sdelay $0x2  }
0x256: {  	s0 =	sadd.s32 s30, s1  }
0x257: {  	v0 =	vld [tilespmem:s0+$0x4100];
	_ =	sdelay $0x3  }
0x258: {  	s31 =	rddreg [dreg:$0x1d]  }
0x259: {  	[smem:$0x7E3] =	sst s0;
	[tilespmem:$0xB80] =	vst v0  }
0x25a: {  	v0 =	vld [tilespmem:s31+$0x70]  }
0x25b: {  	v1 =	vld [tilespmem:s31+$0xFFFFFF90]  }
0x25c: {  	v2 =	vld [tilespmem:s31+$0xFFFFFFA0]  }
0x25d: {  	v3 =	vld [tilespmem:s31+$0xFFFFFFB0]  }
0x25e: {  	s13 =	simm.s32 $0xD600;
	v4 =	vld [tilespmem:s31+$0xFFFFFFC0]  }
0x25f: {  	v5 =	vld [tilespmem:s31+$0xFFFFFFD0];
	[tilespmem:s13+$0x70] =	vst v0  }
0x260: {  	v6 =	vld [tilespmem:s31+$0x10];
	[tilespmem:s13+$0xFFFFFF10] =	vst v1  }
0x261: {  	v0 =	vld [tilespmem:s31+$0xFFFFFFE0];
	[tilespmem:s13+$0xFFFFFF20] =	vst v2  }
0x262: {  	[tilespmem:s13+$0xFFFFFF30] =	vst v3;
	v2 =	vld [tilespmem:s31+$0x0]  }
0x263: {  	v1 =	vld [tilespmem:s31+$0xFFFFFFF0];
	[tilespmem:s13+$0xFFFFFF40] =	vst v4  }
0x264: {  	[tilespmem:s13+$0xFFFFFF50] =	vst v5;
	v5 =	vld [tilespmem:s31+$0x20]  }
0x265: {  	v4 =	vld [tilespmem:s31+$0x30];
	[tilespmem:s13+$0x10] =	vst v6  }
0x266: {  	v3 =	vld [tilespmem:s31+$0x40];
	[tilespmem:s13+$0xFFFFFF60] =	vst v0  }
0x267: {  	[tilespmem:s13+$0x0] =	vst v2;
	v2 =	vld [tilespmem:s31+$0x50]  }
0x268: {  	[tilespmem:s13+$0xFFFFFF70] =	vst v1;
	v1 =	vld [tilespmem:s31+$0x60]  }
0x269: {  	s4 =	simm.s32 $0x0;
	s7 =	sadd.s32 $0x100, s31;
	v0 =	vld [tilespmem:s31+$0xFFFFFF80];
	[tilespmem:s13+$0x20] =	vst v5  }
.LBB2_26:
0x26a: {  	v5 =	vld [tilespmem:s7+$0x70];
	s4 =	sadd.s32 $0x100, s4;
	[tilespmem:s13+$0x30] =	vst v4  }
0x26b: {  	v4 =	vld [tilespmem:s7+$0xFFFFFF90];
	p0 =	slt.u32 s4, $0xA00;
	[tilespmem:s13+$0x40] =	vst v3  }
0x26c: {  	v3 =	vld [tilespmem:s7+$0xFFFFFFA0];
	[tilespmem:s13+$0x50] =	vst v2  }
0x26d: {  	v2 =	vld [tilespmem:s7+$0xFFFFFFB0];
	[tilespmem:s13+$0x60] =	vst v1  }
0x26e: {  	v1 =	vld [tilespmem:s7+$0xFFFFFFC0];
	[tilespmem:s13+$0xFFFFFF00] =	vst v0;
	s13 =	sadd.s32 $0x200, s13  }
0x26f: {  	s3 =	simm.s32 $0x100;
	v0 =	vld [tilespmem:s7+$0xFFFFFFD0];
	[tilespmem:s13+$0x70] =	vst v5  }
0x270: {  	[tilespmem:s13+$0xFFFFFF10] =	vst v4;
	v4 =	vld [tilespmem:s7+$0xFFFFFFE0]  }
0x271: {  	[tilespmem:s13+$0xFFFFFF20] =	vst v3;
	v3 =	vld [tilespmem:s7+$0xFFFFFFF0]  }
0x272: {  	[tilespmem:s13+$0xFFFFFF30] =	vst v2;
	v2 =	vld [tilespmem:s7+$0x0]  }
0x273: {  	[tilespmem:s13+$0xFFFFFF40] =	vst v1;
	v1 =	vld [tilespmem:s7+$0x10]  }
0x274: {  	[tilespmem:s13+$0xFFFFFF50] =	vst v0;
	v5 =	vld [tilespmem:s7+$0x20]  }
.Ltmp13:
0x275: {  	[tilespmem:s13+$0xFFFFFF60] =	vst v4;
	v4 =	vld [tilespmem:s7+$0x30];
	(pc) =	sbr.rel @p0 .LBB2_26-.Ltmp13, $4  }
0x276: {  	[tilespmem:s13+$0xFFFFFF70] =	vst v3;
	v3 =	vld [tilespmem:s7+$0x40]  }
0x277: {  	[tilespmem:s13+$0x0] =	vst v2;
	v2 =	vld [tilespmem:s7+$0x50]  }
0x278: {  	[tilespmem:s13+$0x10] =	vst v1;
	v1 =	vld [tilespmem:s7+$0x60]  }
0x279: {  	v0 =	vld [tilespmem:s7+$0xFFFFFF80];
	[tilespmem:s13+$0x20] =	vst v5;
	s7 =	sadd.s32 $0x100, s7  }
0x27a: {  	s2 =	rddreg [dreg:$0x1f]  }
0x27b: {  	s0 =	sadd.s32 $0xFFFFFF00, s21;
	s18 =	sld [smem:$0x7E7]  }
0x27c: {  	s19 =	sld [smem:$0x7E9];
	s1 =	sadd.s32 $0x1F0, s0;
	s4 =	sadd.s32 $0x110, s0  }
0x27d: {  	[tilespmem:s13+$0x30] =	vst v4;
	s5 =	sadd.s32 $0x120, s0;
	s6 =	sadd.s32 $0x130, s0;
	s7 =	sadd.s32 $0x140, s0  }
0x27e: {  	s20 =	sadd.s32 $0x150, s0;
	s22 =	sld [smem:$0x7EB];
	s9 =	sadd.s32 $0x160, s0  }
0x27f: {  	s23 =	sld [smem:$0x7EC];
	s24 =	sadd.s32 $0x170, s0;
	s28 =	sadd.s32 $0x190, s0  }
0x280: {  	[tilespmem:s13+$0x40] =	vst v3;
	s30 =	sadd.s32 $0x1A0, s0;
	s10 =	sadd.s32 $0x1B0, s0;
	s17 =	sadd.s32 $0x1C0, s0  }
0x281: {  	s1 =	sand.u32 $0x70, s1;
	s4 =	sand.u32 $0x70, s4;
	s25 =	sld [smem:$0x7ED];
	[tilespmem:s13+$0x50] =	vst v2  }
0x282: {  	s5 =	sand.u32 $0x70, s5;
	s6 =	sand.u32 $0x70, s6;
	s26 =	sld [smem:$0x7EE];
	[tilespmem:s13+$0x60] =	vst v1  }
0x283: {  	s7 =	sand.u32 $0x70, s7;
	s9 =	sand.u32 $0x70, s9;
	s29 =	sld [smem:$0x7EF];
	[tilespmem:s13+$0xFFFFFF00] =	vst v0  }
0x284: {  	s10 =	sand.u32 $0x70, s10;
	s1 =	sor.u32 s1, s2;
	s2 =	sld [smem:$0x7F0]  }
0x285: {  	s4 =	sor.u32 s4, s18;
	s8 =	sor.u32 s5, s19;
	s16 =	sld [smem:$0x7F1]  }
0x286: {  	s5 =	sand.u32 $0x70, s20;
	s19 =	sadd.s32 $0x1D0, s0;
	s18 =	sld [smem:$0x7F2]  }
0x287: {  	s0 =	sadd.s32 $0x1E0, s0;
	s6 =	sor.u32 s6, s22;
	s22 =	sld [smem:$0x7F3]  }
0x288: {  	s20 =	sand.u32 $0x70, s17;
	s11 =	sor.u32 s7, s23;
	s23 =	sld [smem:$0x7F4]  }
0x289: {  	s7 =	sand.u32 $0x70, s24;
	s0 =	sand.u32 $0x70, s0;
	v4 =	vld [tilespmem:s1+$0x2B80];
	s24 =	sld [smem:$0x7F5]  }
0x28a: {  	s5 =	sor.u32 s5, s25;
	s1 =	sand.u32 $0x70, s19;
	s25 =	sld [smem:$0x7F6]  }
0x28b: {  	s15 =	sor.u32 s9, s26;
	s9 =	sand.u32 $0x70, s28;
	s28 =	sld [smem:$0x7F7]  }
0x28c: {  	s14 =	sor.u32 s7, s29;
	s7 =	sand.u32 $0x70, s30;
	s13 =	sor.u32 s9, s2  }
0x28d: {  	v0 =	vld [tilespmem:s4+$0x2B80];
	s12 =	sor.u32 s7, s16;
	s9 =	sor.u32 s10, s18;
	s10 =	sor.u32 s20, s22  }
0x28e: {  	v2 =	vld [tilespmem:s6+$0x2B80];
	s7 =	sor.u32 s1, s23;
	s6 =	sor.u32 s0, s24;
	s26 =	sand.u32 $0xFFFFFF00, s25;
	[tilespmem:s3+$0x70] =	vst v4  }
0x28f: {  	v1 =	vld [tilespmem:s8+$0x2B80];
	s0 =	simm.s32 $0x0;
	s29 =	sand.u32 $0xFFFFFF00, s28;
	s30 =	rddreg [dreg:$0x5]  }
0x290: {  	v3 =	vld [tilespmem:s11+$0x2B80];
	s31 =	rddreg [dreg:$0x1e];
	s4 =	sadd.s32 s26, s30;
	s1 =	sadd.s32 s29, s30  }
.LBB2_28:
0x291: {  	s8 =	sadd.s32 s0, s21  }
0x292: {  	s0 =	sadd.s32 $0x100, s0;
	v4 =	vld [tilespmem:s5+$0x2B80];
	s5 =	smov.u32 s3;
	s31 =	sadd.s32 $0x200, s31  }
0x293: {  	s11 =	sadd.s32 $0x1F0, s8;
	p0 =	slt.u32 s0, $0xA00;
	s16 =	sand.u32 $0xFFFFFF00, s31  }
0x294: {  	s17 =	sadd.s32 $0x130, s8;
	s18 =	sadd.s32 $0x160, s8;
	s19 =	sadd.s32 $0x190, s8  }
0x295: {  	s20 =	sadd.s32 $0x1A0, s8;
	s21 =	sadd.s32 $0x1C0, s8;
	s22 =	sadd.s32 $0x1D0, s8  }
0x296: {  	s2 =	sadd.s32 $0xFFFFFE40, s31;
	s23 =	sadd.s32 $0xFFFFFE60, s31;
	s24 =	sadd.s32 $0xFFFFFEA0, s31;
	[tilespmem:s3+$0xFFFFFF90] =	vst v0;
	v0 =	vld [tilespmem:s15+$0x2B80]  }
0x297: {  	s25 =	sadd.s32 $0xFFFFFEE0, s31;
	s26 =	sadd.s32 $0xFFFFFF00, s31;
	s28 =	sadd.s32 $0xFFFFFF40, s31;
	[tilespmem:s3+$0xFFFFFFA0] =	vst v1;
	v1 =	vld [tilespmem:s14+$0x2B80]  }
0x298: {  	s29 =	sadd.s32 $0xFFFFFF60, s31;
	s30 =	sadd.s32 $0xFFFFFFA0, s31;
	s11 =	sand.u32 $0x70, s11;
	[tilespmem:s3+$0xFFFFFFB0] =	vst v2;
	v2 =	vld [tilespmem:s13+$0x2B80]  }
0x299: {  	[dreg:$0x6] =	wrdreg s2;
	s2 =	sadd.s32 $0xFFFFFFE0, s31;
	s11 =	sor.u32 s11, s16;
	[tilespmem:s3+$0xFFFFFFC0] =	vst v3;
	v3 =	vld [tilespmem:s12+$0x2B80]  }
0x29a: {  	s17 =	sand.u32 $0x70, s17;
	s18 =	sand.u32 $0x70, s18;
	s19 =	sand.u32 $0x70, s19;
	v5 =	vld [tilespmem:s11+$0x2B80];
	[tilespmem:s3+$0xFFFFFFD0] =	vst v4  }
0x29b: {  	s20 =	sand.u32 $0x70, s20;
	s21 =	sand.u32 $0x70, s21;
	s22 =	sand.u32 $0x70, s22;
	v4 =	vld [tilespmem:s6+$0x2B80];
	[tilespmem:s3+$0xFFFFFFE0] =	vst v0  }
0x29c: {  	s16 =	sadd.s32 $0x150, s8;
	s2 =	sand.u32 $0xFFFFFF00, s2;
	s15 =	sadd.s32 $0x110, s8;
	v0 =	vld [tilespmem:s9+$0x2B80];
	[tilespmem:s3+$0xFFFFFFF0] =	vst v1  }
0x29d: {  	s14 =	sadd.s32 $0x120, s8;
	s13 =	sadd.s32 $0x140, s8;
	s11 =	sadd.s32 $0x170, s8;
	v1 =	vld [tilespmem:s10+$0x2B80];
	[tilespmem:s5+$0x10] =	vst v2  }
0x29e: {  	s12 =	sadd.s32 $0x1B0, s8;
	s8 =	sadd.s32 $0x1E0, s8;
	v2 =	vld [tilespmem:s7+$0x2B80];
	s3 =	sadd.s32 $0x100, s3;
	[tilespmem:s5+$0x20] =	vst v3  }
0x29f: {  	s16 =	sand.u32 $0x70, s16;
	s6 =	sadd.s32 $0xFFFFFF80, s31;
	s15 =	sand.u32 $0x70, s15;
	v3 =	vld [tilespmem:s1+$0x80];
	[tilespmem:s3+$0x70] =	vst v5  }
0x2a0: {  	s14 =	sand.u32 $0x70, s14;
	s13 =	sand.u32 $0x70, s13;
	s11 =	sand.u32 $0x70, s11;
	v5 =	vld [tilespmem:s4+$0x80];
	[tilespmem:s5+$0x60] =	vst v4  }
0x2a1: {  	s8 =	sand.u32 $0x70, s8;
	s6 =	sand.u32 $0xFFFFFF00, s6;
	s10 =	sadd.s32 $0xFFFFFE80, s31;
	[tilespmem:s5+$0x30] =	vst v0  }
0x2a2: {  	s9 =	sadd.s32 $0xFFFFFEC0, s31;
	s1 =	sadd.s32 $0xFFFFFE20, s31;
	s4 =	sadd.s32 $0xFFFFFFC0, s31;
	[tilespmem:s5+$0x40] =	vst v1  }
0x2a3: {  	s7 =	sadd.s32 $0xFFFFFF20, s31;
	s1 =	sand.u32 $0xFFFFFF00, s1;
	[dreg:$0x8] =	wrdreg s4;
	[tilespmem:s5+$0x50] =	vst v2  }
0x2a4: {  	s10 =	sand.u32 $0xFFFFFF00, s10;
	s4 =	sand.u32 $0x70, s12;
	s12 =	rddreg [dreg:$0x6];
	[tilespmem:s5+$0x0] =	vst v3  }
0x2a5: {  	s9 =	sand.u32 $0xFFFFFF00, s9;
	s10 =	sor.u32 s17, s10;
	[tilespmem:s5+$0xFFFFFF80] =	vst v5;
	s5 =	sand.u32 $0xFFFFFF00, s12  }
0x2a6: {  	s12 =	sand.u32 $0xFFFFFF00, s23;
	s23 =	sand.u32 $0xFFFFFF00, s24;
	s24 =	sand.u32 $0xFFFFFF00, s25  }
0x2a7: {  	s25 =	sand.u32 $0xFFFFFF00, s26;
	s26 =	sand.u32 $0xFFFFFF00, s7;
	s7 =	sand.u32 $0xFFFFFF00, s28  }
0x2a8: {  	s28 =	sand.u32 $0xFFFFFF00, s29;
	s29 =	sand.u32 $0xFFFFFF00, s30;
	s30 =	rddreg [dreg:$0x8]  }
0x2a9: {  	s30 =	sand.u32 $0xFFFFFF00, s30;
	s5 =	sor.u32 s15, s5;
	s12 =	sor.u32 s14, s12  }
.Ltmp14:
0x2aa: {  	s23 =	sor.u32 s13, s23;
	s15 =	sor.u32 s18, s24;
	(pc) =	sbr.rel @p0 .LBB2_28-.Ltmp14, $4  }
0x2ab: {  	v2 =	vld [tilespmem:s10+$0x2B80];
	s14 =	sor.u32 s11, s25;
	s25 =	rddreg [dreg:$0x5];
	s13 =	sor.u32 s19, s7  }
0x2ac: {  	s10 =	sor.u32 s21, s29;
	s21 =	rddreg [dreg:$0x4];
	v0 =	vld [tilespmem:s5+$0x2B80];
	s5 =	sor.u32 s16, s9  }
0x2ad: {  	v1 =	vld [tilespmem:s12+$0x2B80];
	s12 =	sor.u32 s20, s28;
	s9 =	sor.u32 s4, s6;
	s7 =	sor.u32 s22, s30  }
0x2ae: {  	s4 =	sadd.s32 s1, s25;
	v3 =	vld [tilespmem:s23+$0x2B80];
	s1 =	sadd.s32 s26, s25;
	s6 =	sor.u32 s8, s2  }
0x2af: {  	v4 =	vld [tilespmem:s5+$0x2B80]  }
0x2b0: {  	v5 =	vld [tilespmem:s4+$0x80];
	[tilespmem:s3+$0xFFFFFFB0] =	vst v2  }
0x2b1: {  	v2 =	vld [tilespmem:s13+$0x2B80];
	[tilespmem:s3+$0xFFFFFF90] =	vst v0  }
0x2b2: {  	v0 =	vld [tilespmem:s15+$0x2B80];
	[tilespmem:s3+$0xFFFFFFA0] =	vst v1  }
0x2b3: {  	v1 =	vld [tilespmem:s14+$0x2B80];
	[tilespmem:s3+$0xFFFFFFC0] =	vst v3  }
0x2b4: {  	v3 =	vld [tilespmem:s12+$0x2B80];
	[tilespmem:s3+$0xFFFFFFD0] =	vst v4  }
0x2b5: {  	v4 =	vld [tilespmem:s9+$0x2B80];
	[tilespmem:s3+$0xFFFFFF80] =	vst v5  }
0x2b6: {  	[tilespmem:s3+$0x10] =	vst v2;
	v2 =	vld [tilespmem:s6+$0x2B80]  }
0x2b7: {  	[tilespmem:s3+$0xFFFFFFE0] =	vst v0;
	v0 =	vld [tilespmem:s10+$0x2B80]  }
0x2b8: {  	[tilespmem:s3+$0xFFFFFFF0] =	vst v1;
	v1 =	vld [tilespmem:s7+$0x2B80]  }
0x2b9: {  	[tilespmem:s3+$0x20] =	vst v3;
	v3 =	vld [tilespmem:s1+$0x80]  }
0x2ba: {  	[tilespmem:s3+$0x30] =	vst v4  }
0x2bb: {  	[tilespmem:s3+$0x60] =	vst v2  }
0x2bc: {  	[tilespmem:s3+$0x40] =	vst v0  }
0x2bd: {  	[tilespmem:s3+$0x50] =	vst v1  }
0x2be: {  	[tilespmem:s3+$0x0] =	vst v3  }
0x2bf: {  	s0 =	sld [smem:$0x7E3];
	_ =	sdelay $0x2  }
0x2c0: {  	v0 =	vld [tilespmem:s0+$0x4180];
	_ =	sdelay $0x4  }
0x2c1: {  	s30 =	rddreg [dreg:$0x1d];
	[tilespmem:$0xB80] =	vst v0  }
0x2c2: {  	v0 =	vld [tilespmem:s30+$0x70]  }
0x2c3: {  	v1 =	vld [tilespmem:s30+$0xFFFFFF90]  }
0x2c4: {  	v2 =	vld [tilespmem:s30+$0xFFFFFFA0]  }
0x2c5: {  	s1 =	simm.s32 $0x1E0;
	v3 =	vld [tilespmem:s30+$0xFFFFFFB0]  }
0x2c6: {  	s2 =	sor.u32 $0x70, s1;
	v4 =	vld [tilespmem:s30+$0xFFFFFFC0]  }
0x2c7: {  	s0 =	simm.s32 $0xD5F0;
	v5 =	vld [tilespmem:s30+$0xFFFFFFD0];
	[tilespmem:s2+$0xD500] =	vst v0  }
0x2c8: {  	[tilespmem:s0+$0xFFFFFFA0] =	vst v1;
	v0 =	vld [tilespmem:s30+$0xFFFFFFE0]  }
0x2c9: {  	[tilespmem:s0+$0xFFFFFFB0] =	vst v2;
	v1 =	vld [tilespmem:s30+$0xFFFFFFF0]  }
0x2ca: {  	[tilespmem:s0+$0xFFFFFFC0] =	vst v3;
	v2 =	vld [tilespmem:s30+$0x0]  }
0x2cb: {  	[tilespmem:s0+$0xFFFFFFD0] =	vst v4;
	v3 =	vld [tilespmem:s30+$0x10]  }
0x2cc: {  	[tilespmem:s0+$0xFFFFFFE0] =	vst v5;
	v5 =	vld [tilespmem:s30+$0x20]  }
0x2cd: {  	[tilespmem:s0+$0xFFFFFFF0] =	vst v0;
	v0 =	vld [tilespmem:s30+$0x30]  }
0x2ce: {  	[tilespmem:s0+$0x0] =	vst v1;
	v1 =	vld [tilespmem:s30+$0x40]  }
0x2cf: {  	[tilespmem:s0+$0x90] =	vst v2;
	v2 =	vld [tilespmem:s30+$0x50]  }
0x2d0: {  	s31 =	simm.s32 $0x1C0;
	v4 =	vld [tilespmem:s30+$0x60];
	[tilespmem:s0+$0xA0] =	vst v3  }
0x2d1: {  	s4 =	sor.u32 $0x60, s31;
	s3 =	sadd.s32 $0x100, s30;
	s2 =	simm.s32 $0x0;
	v3 =	vld [tilespmem:s30+$0xFFFFFF80];
	[tilespmem:s0+$0xB0] =	vst v5  }
.LBB2_30:
0x2d2: {  	v5 =	vld [tilespmem:s3+$0x70];
	s2 =	sadd.s32 $0x100, s2;
	[tilespmem:s0+$0xC0] =	vst v0  }
0x2d3: {  	v0 =	vld [tilespmem:s3+$0xFFFFFF90];
	p0 =	slt.u32 s2, $0xA00;
	[tilespmem:s0+$0xD0] =	vst v1  }
0x2d4: {  	v1 =	vld [tilespmem:s3+$0xFFFFFFA0];
	[tilespmem:s0+$0xE0] =	vst v2  }
0x2d5: {  	s1 =	sadd.s32 $0x200, s1;
	v2 =	vld [tilespmem:s3+$0xFFFFFFB0];
	[tilespmem:s4+$0xD500] =	vst v4  }
0x2d6: {  	s5 =	sor.u32 $0x70, s1;
	s4 =	sadd.s32 $0xFFFFFFE0, s1;
	v4 =	vld [tilespmem:s3+$0xFFFFFFC0];
	[tilespmem:s0+$0xFFFFFF90] =	vst v3  }
0x2d7: {  	s4 =	sor.u32 $0x60, s4;
	s0 =	sadd.s32 $0x200, s0;
	v3 =	vld [tilespmem:s3+$0xFFFFFFD0];
	[tilespmem:s5+$0xD500] =	vst v5  }
0x2d8: {  	[tilespmem:s0+$0xFFFFFFA0] =	vst v0;
	v0 =	vld [tilespmem:s3+$0xFFFFFFE0]  }
0x2d9: {  	[tilespmem:s0+$0xFFFFFFB0] =	vst v1;
	v1 =	vld [tilespmem:s3+$0xFFFFFFF0]  }
0x2da: {  	[tilespmem:s0+$0xFFFFFFC0] =	vst v2;
	v2 =	vld [tilespmem:s3+$0x0]  }
0x2db: {  	[tilespmem:s0+$0xFFFFFFD0] =	vst v4;
	v4 =	vld [tilespmem:s3+$0x10]  }
0x2dc: {  	[tilespmem:s0+$0xFFFFFFE0] =	vst v3;
	v5 =	vld [tilespmem:s3+$0x20]  }
.Ltmp15:
0x2dd: {  	[tilespmem:s0+$0xFFFFFFF0] =	vst v0;
	v0 =	vld [tilespmem:s3+$0x30];
	(pc) =	sbr.rel @p0 .LBB2_30-.Ltmp15, $4  }
0x2de: {  	[tilespmem:s0+$0x0] =	vst v1;
	v1 =	vld [tilespmem:s3+$0x40]  }
0x2df: {  	[tilespmem:s0+$0x90] =	vst v2;
	v2 =	vld [tilespmem:s3+$0x50]  }
0x2e0: {  	[tilespmem:s0+$0xA0] =	vst v4;
	v4 =	vld [tilespmem:s3+$0x60]  }
0x2e1: {  	v3 =	vld [tilespmem:s3+$0xFFFFFF80];
	[tilespmem:s0+$0xB0] =	vst v5;
	s3 =	sadd.s32 $0x100, s3  }
0x2e2: {  	[tilespmem:s0+$0xC0] =	vst v0  }
0x2e3: {  	[tilespmem:s0+$0xD0] =	vst v1  }
0x2e4: {  	[tilespmem:s0+$0xE0] =	vst v2  }
0x2e5: {  	[tilespmem:s4+$0xD500] =	vst v4  }
0x2e6: {  	s7 =	simm.s32 $0x0;
	[tilespmem:s0+$0xFFFFFF90] =	vst v3  }
0x2e7: {  	s1 =	simm.s32 $0xD500;
	s29 =	simm.s32 $0x3;
	s0 =	rddreg [dreg:$0x1a]  }
0x2e8: {  	[hbm4b:s0+s7] =	stream.linear.scatter [tilespmem:s1], [sflag:$0x3], $0x1600, $0x38;
	[tilespmem:$0x17D00] =	vst v63  }
0x2e9: {  	_ =	swait.ge [sflag:s29], $0x1600  }
0x2ea: {  	[sflag:s29] =	ssyncset.done $0x0  }
0x2eb: {  	s30 =	simm.s32 $0x4;
	[sflag:s29] =	ssyncadd.s32 $0xFFFFEA00  }
0x2ec: {  	_ =	swait.ge [sflag:s30], $0x5400  }
0x2ed: {  	s2 =	rddreg [dreg:$0x1c]  }
0x2ee: {  	s31 =	rddreg [dreg:$0x1b];
	s2 =	sadd.s32 $0x1, s2  }
0x2ef: {  	p0 =	sne.s32 s2, s31  }
.Ltmp16:
0x2f0: {  	_ = 	snop;
	(pc) =	sbr.rel @p0 .LBB2_1-.Ltmp16, $3  }
0x2f1: {  	_ =	sdelay $0x1  }
0x2f2: {  	[sflag:s30] =	ssyncset.done $0x0  }
0x2f3: {  	[sflag:s30] =	ssyncadd.s32 $0xFFFFAC00  }
0x2f4: {  	_ =	sfence.sel $0x180000  }
0x2f5: {  	[bflag:$0x0] =	sbarrier.arrive $0xFFFF  }
0x2f6: {  	_ =	strace $0x90000047  }
0x2f7: {  	s0 =	stileid.u32;
	[bflag:$0x2] =	sbarrier.arrive $0xFFFF  }
0x2f8: {  	p0 =	sne.s32 s0, $0x0;
	s0 =	rddreg [dreg:$0x3]  }
0x2f9: {  	s0 =	sadd.s32 @!p0 $0x100000, s0  }
0x2fa: {  	[sflag:s0] =	ssyncadd.tile.s32 @!p0 $0x1;
	_ =	shalt  }
.Lfunc_end2:
_tile_overlayer_lowered:
.L_overlay_start_2:
0x2fb: {  	(tag) =	ssettag $0x2  }
0x2fc: {  	s0 =	rddreg [dreg:$0x0];
	s2 =	stileid.u32  }
0x2fd: {  	s1 =	rddreg [dreg:$0x1];
	p0 =	sne.s32 s2, $0x0  }
0x2fe: {  	s3 =	rddreg [dreg:$0x2];
	[bflag:$0x3] =	sbarrier.arrive $0xFFFF;
	s2 =	simm.s32 @!p0 $0x1C05  }
0x2ff: {  	[timem:s3], [sflag:s2] =	dma.local @!p0 [hbm:s0], s1  }
0x300: {  	s0 =	simm.s32 @!p0 $0x5  }
0x301: {  	_ =	swait.ge @!p0 [sflag:s0], s1  }
0x302: {  	s1 =	ssub.s32 @!p0 $0x0, s1;
	[sflag:s0] =	ssyncset.done @!p0 $0x0  }
0x303: {  	[sflag:s0] =	ssyncadd.s32 @!p0 s1  }
0x304: {  	[bflag:$0x3] =	sbarrier.arrive $0xFFFF  }
0x305: {  	_ =	shalt  }

</sc_bundles>
